<compile_context>
chip_gen: v7x
topology: tpu7x:2x2x1
jax: 0.10.2.dev20260603
libtpu: 0.0.44.dev20260713+nightly
codegen_flags: <defaults>
</compile_context>

<pallas_src>
import functools

import jax
import jax.numpy as jnp
from jax import lax
from jax.experimental import pallas as pl
from jax.experimental.pallas import tpu as pltpu
from jax.experimental.pallas import tpu_sc as plsc

_D = 32
_S = 50
_BT = 128
_DT = _D // 8
_NP = _S // 2


@functools.cache
def _make_gather(n_seq: int):
    info = plsc.get_sparse_core_info()
    nw = info.num_cores * info.num_subcores
    nbt = n_seq // _BT
    bt_per_w = nbt // nw
    assert bt_per_w * nw == nbt
    spb = _S * _BT

    mesh = plsc.VectorSubcoreMesh(core_axis_name="c", subcore_axis_name="s")

    @functools.partial(
        pl.kernel,
        mesh=mesh,
        out_type=jax.ShapeDtypeStruct((_S, _DT, nbt, 8, _BT), jnp.float32),
        scratch_types=[
            pltpu.VMEM((spb,), jnp.int32),
            pltpu.VMEM((2 * _BT, _D), jnp.float32),
            pltpu.VMEM((2 * _BT, _D), jnp.float32),
            pltpu.VMEM((_DT, 8, _BT + 1), jnp.float32),
            pltpu.VMEM((_DT, 8, _BT + 1), jnp.float32),
            pltpu.VMEM((_DT, 8, _BT + 1), jnp.float32),
            pltpu.VMEM((_DT, 8, _BT + 1), jnp.float32),
            pltpu.SemaphoreType.DMA,
            pltpu.SemaphoreType.DMA,
            pltpu.SemaphoreType.DMA,
            pltpu.SemaphoreType.DMA,
        ],
        compiler_params=pltpu.CompilerParams(
            use_tc_tiling_on_sc=False, needs_layout_passes=False
        ),
    )
    def gather_kernel(idx_hbm, table_hbm, out_hbm, idx_v, rows_a, rows_b,
                      tile_a0, tile_a1, tile_b0, tile_b1, gsa, gsb, wsa, wsb):
        wid = lax.axis_index("s") * info.num_cores + lax.axis_index("c")
        iota = lax.iota(jnp.int32, 16)
        dt_inv = [iota >> 3, (iota + 16) >> 3]
        dl_inv = [iota & 7, (iota + 16) & 7]

        def start_gather(p, rows, sem):
            pltpu.async_copy(
                table_hbm.at[idx_v.at[pl.ds(p * 2 * _BT, 2 * _BT)]], rows, sem
            )

        def wait_gather(rows, sem):
            pltpu.make_async_copy(
                table_hbm.at[pl.ds(0, 2 * _BT)], rows, sem
            ).wait()

        def transpose(rows, q, tile):
            @pl.loop(0, _BT, unroll=4)
            def _(b):
                col = jnp.full((16,), b, jnp.int32)
                for h in range(2):
                    v = rows[q * _BT + b, pl.ds(h * 16, 16)]
                    plsc.store_scatter(tile, [dt_inv[h], dl_inv[h], col], v)

        def start_write(s, bt, tile, sem):
            pltpu.async_copy(
                tile.at[:, :, pl.ds(0, _BT)], out_hbm.at[s, :, bt], sem
            )

        def wait_write(tile, sem):
            pltpu.make_async_copy(
                out_hbm.at[0, :, 0], tile.at[:, :, pl.ds(0, _BT)], sem
            ).wait()

        def do_pair(p, bt, rows, t0, t1, wsem, first):
            @pl.when(jnp.logical_not(first))
            def _():
                wait_write(t0, wsem)
                wait_write(t1, wsem)

            transpose(rows, 0, t0)
            start_write(2 * p, bt, t0, wsem)
            transpose(rows, 1, t1)
            start_write(2 * p + 1, bt, t1, wsem)

        @pl.loop(0, bt_per_w)
        def _block(bb):
            bt = wid * bt_per_w + bb
            pltpu.sync_copy(idx_hbm.at[pl.ds(bt * spb, spb)], idx_v)
            start_gather(0, rows_a, gsa)

            @pl.loop(0, _NP // 2)
            def body(j):
                pa = 2 * j
                start_gather(pa + 1, rows_b, gsb)
                wait_gather(rows_a, gsa)
                do_pair(pa, bt, rows_a, tile_a0, tile_a1, wsa, j == 0)

                @pl.when(j < _NP // 2 - 1)
                def _():
                    start_gather(pa + 2, rows_a, gsa)

                wait_gather(rows_b, gsb)
                do_pair(pa + 1, bt, rows_b, tile_b0, tile_b1, wsb, j == 0)

            start_gather(_NP - 1, rows_a, gsa)
            wait_gather(rows_a, gsa)
            do_pair(_NP - 1, bt, rows_a, tile_a0, tile_a1, wsa, False)

            wait_write(tile_a0, wsa)
            wait_write(tile_a1, wsa)
            wait_write(tile_b0, wsb)
            wait_write(tile_b1, wsb)

    return gather_kernel


@jax.jit
def kernel(token_ids, weight):
    n_seq, s = token_ids.shape
    idx_r = (
        token_ids.astype(jnp.int32)
        .reshape(n_seq // _BT, _BT, s)
        .transpose(0, 2, 1)
        .reshape(-1)
    )
    out5 = _make_gather(n_seq)(idx_r, weight)
    return jnp.transpose(out5, (2, 4, 0, 1, 3)).reshape(n_seq, s, _D)

# --- scband reference (transcript-rebuilt; emitter-appended) ---
"""Pipeline reference for scband-embedding-10840497455903 (READ-ONLY COPY).

The authoritative reference and input builder live on the scoring server;
editing this copy changes nothing except your own understanding.
"""

import jax, jax.numpy as jnp
import numpy as np

NUM_EMBEDDINGS = 1000000
EMBEDDING_DIM = 32

def setup_inputs(seed: int = 0) -> dict:
    key = jax.random.key(seed)
    k_idx, k_w = jax.random.split(key)
    token_ids = jax.random.randint(k_idx, (16384, 50), 0, NUM_EMBEDDINGS, dtype=jnp.int64 if jax.config.jax_enable_x64 else jnp.int32)
    # trunc_normal init with std=1, truncated at +/-3 std
    w = jax.random.truncated_normal(k_w, -3.0, 3.0, (NUM_EMBEDDINGS, EMBEDDING_DIM), dtype=jnp.float32)
    return {"token_ids": token_ids, "weight": w}

def reference(token_ids, weight):
    # Faithful translation of: return self.weight[token_ids]
    return jnp.take(weight, token_ids, axis=0)

if __name__ == "__main__":
    import jax
    _d = setup_inputs()
    print(jax.jit(kernel)(*tuple(_d.values())))

</pallas_src>

<mosaic_0001>
#map = affine_map<(d0, d1) -> (0)>
#map1 = affine_map<(d0, d1) -> (0, 0)>
#map2 = affine_map<(d0, d1) -> (0, 0, 0, 0, 0)>
module attributes {stable_mosaic.version = 14 : i64} {
  func.func @gather_kernel(%arg0: i32, %arg1: i32, %arg2: memref<819200xi32, #tpu.memory_space<hbm>>, %arg3: memref<1000000x32xf32, #tpu.memory_space<hbm>>, %arg4: memref<50x4x128x8x128xf32, #tpu.memory_space<hbm>>, %arg5: memref<6400xi32, #tpu.memory_space<vmem>>, %arg6: memref<256x32xf32, #tpu.memory_space<vmem>>, %arg7: memref<256x32xf32, #tpu.memory_space<vmem>>, %arg8: memref<4x8x129xf32, #tpu.memory_space<vmem>>, %arg9: memref<4x8x129xf32, #tpu.memory_space<vmem>>, %arg10: memref<4x8x129xf32, #tpu.memory_space<vmem>>, %arg11: memref<4x8x129xf32, #tpu.memory_space<vmem>>, %arg12: memref<!tpu.dma_semaphore, #tpu.memory_space<semaphore_mem>>, %arg13: memref<!tpu.dma_semaphore, #tpu.memory_space<semaphore_mem>>, %arg14: memref<!tpu.dma_semaphore, #tpu.memory_space<semaphore_mem>>, %arg15: memref<!tpu.dma_semaphore, #tpu.memory_space<semaphore_mem>>) attributes {dimension_semantics = [#tpu.dimension_semantics<core_parallel>, #tpu.dimension_semantics<subcore_parallel>], iteration_bounds = array<i64: 2, 16>, scalar_prefetch = 0 : i64, scratch_operands = 11 : i64, tpu.core_type = #tpu.core_type<sc_vector_subcore>, window_params = [{transform_indices = #map}, {transform_indices = #map1}, {transform_indices = #map2}]} {
    %mul3A = arith.constant 2 : i32
    %mul3A_0 = arith.muli %arg1, %mul3A : i32
    %add3A = arith.addi %mul3A_0, %arg0 : i32
    %iota3A = tpu.iota {dimensions = array<i32: 0>} : vector<16xi32>
    %shift_right_arithmetic3A = arith.constant 3 : i32
    %shift_right_arithmetic3A_1 = vector.broadcast %shift_right_arithmetic3A : i32 to vector<16xi32>
    %shift_right_arithmetic3A_2 = arith.shrsi %iota3A, %shift_right_arithmetic3A_1 : vector<16xi32>
    %add3A_3 = arith.constant 16 : i32
    %add3A_4 = vector.broadcast %add3A_3 : i32 to vector<16xi32>
    %add3A_5 = arith.addi %iota3A, %add3A_4 : vector<16xi32>
    %shift_right_arithmetic3A_6 = arith.constant 3 : i32
    %shift_right_arithmetic3A_7 = vector.broadcast %shift_right_arithmetic3A_6 : i32 to vector<16xi32>
    %shift_right_arithmetic3A_8 = arith.shrsi %add3A_5, %shift_right_arithmetic3A_7 : vector<16xi32>
    %and3A = arith.constant 7 : i32
    %and3A_9 = vector.broadcast %and3A : i32 to vector<16xi32>
    %and3A_10 = arith.andi %iota3A, %and3A_9 : vector<16xi32>
    %add3A_11 = arith.constant 16 : i32
    %add3A_12 = vector.broadcast %add3A_11 : i32 to vector<16xi32>
    %add3A_13 = arith.addi %iota3A, %add3A_12 : vector<16xi32>
    %and3A_14 = arith.constant 7 : i32
    %and3A_15 = vector.broadcast %and3A_14 : i32 to vector<16xi32>
    %and3A_16 = arith.andi %add3A_13, %and3A_15 : vector<16xi32>
    %scan3A = arith.constant 0 : i32
    %scan3A_17 = arith.constant 4 : i32
    %scan3A_18 = arith.addi %scan3A, %scan3A_17 : i32
    %scan3A_19 = arith.constant 1 : i32
    scf.for %scan3A_21 = %scan3A to %scan3A_18 step %scan3A_19  : i32 {
      %mul3A_22 = arith.constant 1 : i32
      %mul3A_23 = arith.muli %scan3A_21, %mul3A_22 : i32
      %add3A_24 = arith.constant 0 : i32
      %add3A_25 = arith.addi %add3A_24, %mul3A_23 : i32
      %mul3A_26 = arith.constant 4 : i32
      %mul3A_27 = arith.muli %add3A, %mul3A_26 : i32
      %add3A_28 = arith.addi %mul3A_27, %add3A_25 : i32
      %mul3A_29 = arith.constant 6400 : i32
      %mul3A_30 = arith.muli %add3A_28, %mul3A_29 : i32
      "tpu.region"() ({
        %run_scoped3A = tpu.sem_alloc : memref<!tpu.dma_semaphore, #tpu.memory_space<semaphore_mem>>
        %dma_start3A_181 = tpu.memref_slice %arg2[%mul3A_30] : memref<819200xi32, #tpu.memory_space<hbm>> -> memref<6400xi32, #tpu.memory_space<hbm>>
        %dma_start3A_182 = tpu.memref_slice %arg2[%mul3A_30] : memref<819200xi32, #tpu.memory_space<hbm>> -> memref<6400xi32, #tpu.memory_space<hbm>>
        tpu.enqueue_dma source(%dma_start3A_182 : memref<6400xi32, #tpu.memory_space<hbm>>) target(%arg5 : memref<6400xi32, #tpu.memory_space<vmem>>) target_semaphore(%run_scoped3A : memref<!tpu.dma_semaphore, #tpu.memory_space<semaphore_mem>>)
        %dma_wait3A_183 = tpu.memref_slice %arg2[%mul3A_30] : memref<819200xi32, #tpu.memory_space<hbm>> -> memref<6400xi32, #tpu.memory_space<hbm>>
        %dma_wait3A_184 = tpu.memref_slice %arg2[%mul3A_30] : memref<819200xi32, #tpu.memory_space<hbm>> -> memref<6400xi32, #tpu.memory_space<hbm>>
        tpu.wait_dma2 semaphore(%run_scoped3A : memref<!tpu.dma_semaphore, #tpu.memory_space<semaphore_mem>>) src(%dma_wait3A_184 : memref<6400xi32, #tpu.memory_space<hbm>>) dst(%arg5 : memref<6400xi32, #tpu.memory_space<vmem>>)
        tpu.yield
      }) : () -> ()
      %dma_start3A = arith.constant 0 : i32
      %dma_start3A_31 = tpu.memref_slice %arg5[%dma_start3A] : memref<6400xi32, #tpu.memory_space<vmem>> -> memref<256xi32, #tpu.memory_space<vmem>>
      %dma_start3A_32 = arith.constant 0 : i32
      %dma_start3A_33 = arith.constant 0 : i32
      %dma_start3A_34 = tpu.memref_slice %arg3[%dma_start3A_32, %dma_start3A_33] : memref<1000000x32xf32, #tpu.memory_space<hbm>> -> memref<1000000x32xf32, #tpu.memory_space<hbm>>
      tpu.enqueue_indirect_dma source(%dma_start3A_34 : memref<1000000x32xf32, #tpu.memory_space<hbm>>) target(%arg6 : memref<256x32xf32, #tpu.memory_space<vmem>>) offsets(%dma_start3A_31 : memref<256xi32, #tpu.memory_space<vmem>>) semaphore(%arg12 : memref<!tpu.dma_semaphore, #tpu.memory_space<semaphore_mem>>)
      %scan3A_35 = arith.constant 0 : i32
      %scan3A_36 = arith.constant 12 : i32
      %scan3A_37 = arith.addi %scan3A_35, %scan3A_36 : i32
      %scan3A_38 = arith.constant 1 : i32
      scf.for %scan3A_181 = %scan3A_35 to %scan3A_37 step %scan3A_38  : i32 {
        %mul3A_182 = arith.constant 1 : i32
        %mul3A_183 = arith.muli %scan3A_181, %mul3A_182 : i32
        %add3A_184 = arith.constant 0 : i32
        %add3A_185 = arith.addi %add3A_184, %mul3A_183 : i32
        %mul3A_186 = arith.constant 2 : i32
        %mul3A_187 = arith.muli %mul3A_186, %add3A_185 : i32
        %add3A_188 = arith.constant 1 : i32
        %add3A_189 = arith.addi %mul3A_187, %add3A_188 : i32
        %mul3A_190 = arith.constant 2 : i32
        %mul3A_191 = arith.muli %add3A_189, %mul3A_190 : i32
        %mul3A_192 = arith.constant 128 : i32
        %mul3A_193 = arith.muli %mul3A_191, %mul3A_192 : i32
        %dma_start3A_194 = tpu.memref_slice %arg5[%mul3A_193] : memref<6400xi32, #tpu.memory_space<vmem>> -> memref<256xi32, #tpu.memory_space<vmem>>
        %dma_start3A_195 = arith.constant 0 : i32
        %dma_start3A_196 = arith.constant 0 : i32
        %dma_start3A_197 = tpu.memref_slice %arg3[%dma_start3A_195, %dma_start3A_196] : memref<1000000x32xf32, #tpu.memory_space<hbm>> -> memref<1000000x32xf32, #tpu.memory_space<hbm>>
        tpu.enqueue_indirect_dma source(%dma_start3A_197 : memref<1000000x32xf32, #tpu.memory_space<hbm>>) target(%arg7 : memref<256x32xf32, #tpu.memory_space<vmem>>) offsets(%dma_start3A_194 : memref<256xi32, #tpu.memory_space<vmem>>) semaphore(%arg13 : memref<!tpu.dma_semaphore, #tpu.memory_space<semaphore_mem>>)
        %dma_wait3A_198 = arith.constant 0 : i32
        %dma_wait3A_199 = arith.constant 0 : i32
        %dma_wait3A_200 = tpu.memref_slice %arg3[%dma_wait3A_198, %dma_wait3A_199] : memref<1000000x32xf32, #tpu.memory_space<hbm>> -> memref<256x32xf32, #tpu.memory_space<hbm>>
        %dma_wait3A_201 = arith.constant 0 : i32
        %dma_wait3A_202 = arith.constant 0 : i32
        %dma_wait3A_203 = tpu.memref_slice %arg3[%dma_wait3A_201, %dma_wait3A_202] : memref<1000000x32xf32, #tpu.memory_space<hbm>> -> memref<256x32xf32, #tpu.memory_space<hbm>>
        tpu.wait_dma2 semaphore(%arg12 : memref<!tpu.dma_semaphore, #tpu.memory_space<semaphore_mem>>) src(%dma_wait3A_203 : memref<256x32xf32, #tpu.memory_space<hbm>>) dst(%arg6 : memref<256x32xf32, #tpu.memory_space<vmem>>)
        %eq3A = arith.constant 0 : i32
        %eq3A_204 = arith.cmpi eq, %add3A_185, %eq3A : i32
        %not3A_205 = arith.constant true
        %not3A_206 = arith.xori %eq3A_204, %not3A_205 : i1
        %convert_element_type3A_207 = arith.extui %not3A_206 : i1 to i32
        %cond3A_208 = arith.constant 0 : i32
        %cond3A_209 = arith.cmpi ne, %convert_element_type3A_207, %cond3A_208 : i32
        scf.if %cond3A_209 {
          %dma_wait3A_333 = arith.constant 0 : i32
          %dma_wait3A_334 = arith.constant 0 : i32
          %dma_wait3A_335 = arith.constant 0 : i32
          %dma_wait3A_336 = arith.constant 0 : i32
          %dma_wait3A_337 = arith.constant 0 : i32
          %dma_wait3A_338 = tpu.memref_slice %arg8[%dma_wait3A_335, %dma_wait3A_336, %dma_wait3A_337] : memref<4x8x129xf32, #tpu.memory_space<vmem>> -> memref<4x8x128xf32, #tpu.memory_space<vmem>>
          %dma_wait3A_339 = arith.constant 0 : i32
          %dma_wait3A_340 = arith.constant 0 : i32
          %dma_wait3A_341 = arith.constant 0 : i32
          %dma_wait3A_342 = tpu.memref_slice %arg4[%dma_wait3A_333, %dma_wait3A_339, %dma_wait3A_334, %dma_wait3A_340, %dma_wait3A_341] : memref<50x4x128x8x128xf32, #tpu.memory_space<hbm>> -> memref<1x4x1x8x128xf32, #tpu.memory_space<hbm>>
          %dma_wait3A_343 = tpu.memref_squeeze %dma_wait3A_342 : memref<1x4x1x8x128xf32, #tpu.memory_space<hbm>> -> memref<4x8x128xf32, #tpu.memory_space<hbm>>
          %dma_wait3A_344 = arith.constant 0 : i32
          %dma_wait3A_345 = arith.constant 0 : i32
          %dma_wait3A_346 = arith.constant 0 : i32
          %dma_wait3A_347 = tpu.memref_slice %arg8[%dma_wait3A_344, %dma_wait3A_345, %dma_wait3A_346] : memref<4x8x129xf32, #tpu.memory_space<vmem>> -> memref<4x8x128xf32, #tpu.memory_space<vmem>>
          %dma_wait3A_348 = arith.constant 0 : i32
          %dma_wait3A_349 = arith.constant 0 : i32
          %dma_wait3A_350 = arith.constant 0 : i32
          %dma_wait3A_351 = tpu.memref_slice %arg4[%dma_wait3A_333, %dma_wait3A_348, %dma_wait3A_334, %dma_wait3A_349, %dma_wait3A_350] : memref<50x4x128x8x128xf32, #tpu.memory_space<hbm>> -> memref<1x4x1x8x128xf32, #tpu.memory_space<hbm>>
          %dma_wait3A_352 = tpu.memref_squeeze %dma_wait3A_351 : memref<1x4x1x8x128xf32, #tpu.memory_space<hbm>> -> memref<4x8x128xf32, #tpu.memory_space<hbm>>
          tpu.wait_dma2 semaphore(%arg14 : memref<!tpu.dma_semaphore, #tpu.memory_space<semaphore_mem>>) src(%dma_wait3A_352 : memref<4x8x128xf32, #tpu.memory_space<hbm>>) dst(%dma_wait3A_347 : memref<4x8x128xf32, #tpu.memory_space<vmem>>)
          %dma_wait3A_353 = arith.constant 0 : i32
          %dma_wait3A_354 = arith.constant 0 : i32
          %dma_wait3A_355 = arith.constant 0 : i32
          %dma_wait3A_356 = arith.constant 0 : i32
          %dma_wait3A_357 = arith.constant 0 : i32
          %dma_wait3A_358 = tpu.memref_slice %arg9[%dma_wait3A_355, %dma_wait3A_356, %dma_wait3A_357] : memref<4x8x129xf32, #tpu.memory_space<vmem>> -> memref<4x8x128xf32, #tpu.memory_space<vmem>>
          %dma_wait3A_359 = arith.constant 0 : i32
          %dma_wait3A_360 = arith.constant 0 : i32
          %dma_wait3A_361 = arith.constant 0 : i32
          %dma_wait3A_362 = tpu.memref_slice %arg4[%dma_wait3A_353, %dma_wait3A_359, %dma_wait3A_354, %dma_wait3A_360, %dma_wait3A_361] : memref<50x4x128x8x128xf32, #tpu.memory_space<hbm>> -> memref<1x4x1x8x128xf32, #tpu.memory_space<hbm>>
          %dma_wait3A_363 = tpu.memref_squeeze %dma_wait3A_362 : memref<1x4x1x8x128xf32, #tpu.memory_space<hbm>> -> memref<4x8x128xf32, #tpu.memory_space<hbm>>
          %dma_wait3A_364 = arith.constant 0 : i32
          %dma_wait3A_365 = arith.constant 0 : i32
          %dma_wait3A_366 = arith.constant 0 : i32
          %dma_wait3A_367 = tpu.memref_slice %arg9[%dma_wait3A_364, %dma_wait3A_365, %dma_wait3A_366] : memref<4x8x129xf32, #tpu.memory_space<vmem>> -> memref<4x8x128xf32, #tpu.memory_space<vmem>>
          %dma_wait3A_368 = arith.constant 0 : i32
          %dma_wait3A_369 = arith.constant 0 : i32
          %dma_wait3A_370 = arith.constant 0 : i32
          %dma_wait3A_371 = tpu.memref_slice %arg4[%dma_wait3A_353, %dma_wait3A_368, %dma_wait3A_354, %dma_wait3A_369, %dma_wait3A_370] : memref<50x4x128x8x128xf32, #tpu.memory_space<hbm>> -> memref<1x4x1x8x128xf32, #tpu.memory_space<hbm>>
          %dma_wait3A_372 = tpu.memref_squeeze %dma_wait3A_371 : memref<1x4x1x8x128xf32, #tpu.memory_space<hbm>> -> memref<4x8x128xf32, #tpu.memory_space<hbm>>
          tpu.wait_dma2 semaphore(%arg14 : memref<!tpu.dma_semaphore, #tpu.memory_space<semaphore_mem>>) src(%dma_wait3A_372 : memref<4x8x128xf32, #tpu.memory_space<hbm>>) dst(%dma_wait3A_367 : memref<4x8x128xf32, #tpu.memory_space<vmem>>)
        } else {
        }
        %scan3A_210 = arith.constant 0 : i32
        %scan3A_211 = arith.constant 128 : i32
        %scan3A_212 = arith.addi %scan3A_210, %scan3A_211 : i32
        %scan3A_213 = arith.constant 4 : i32
        scf.for %scan3A_333 = %scan3A_210 to %scan3A_212 step %scan3A_213  : i32 {
          %mul3A_334 = arith.constant 1 : i32
          %mul3A_335 = arith.muli %scan3A_333, %mul3A_334 : i32
          %add3A_336 = arith.constant 0 : i32
          %add3A_337 = arith.addi %add3A_336, %mul3A_335 : i32
          %broadcast_in_dim3A = vector.broadcast %add3A_337 : i32 to vector<16xi32>
          %add3A_338 = arith.constant 0 : i32
          %add3A_339 = arith.addi %add3A_338, %add3A_337 : i32
          %get3A = arith.index_cast %add3A_339 : i32 to index
          %get3A_340 = arith.constant 0 : index
          %get3A_341 = tpu.vector_load %arg6[%get3A, %get3A_340] {strides = array<i32>} : memref<256x32xf32, #tpu.memory_space<vmem>>, vector<16xf32>,
          tpu.vector_store_idx %arg8[%shift_right_arithmetic3A_2, %and3A_10, %broadcast_in_dim3A], %get3A_341 : memref<4x8x129xf32, #tpu.memory_space<vmem>>[vector<16xi32>, vector<16xi32>, vector<16xi32>], vector<16xf32>,
          %add3A_342 = arith.constant 0 : i32
          %add3A_343 = arith.addi %add3A_342, %add3A_337 : i32
          %get3A_344 = arith.index_cast %add3A_343 : i32 to index
          %get3A_345 = arith.constant 16 : index
          %get3A_346 = tpu.vector_load %arg6[%get3A_344, %get3A_345] {strides = array<i32>} : memref<256x32xf32, #tpu.memory_space<vmem>>, vector<16xf32>,
          tpu.vector_store_idx %arg8[%shift_right_arithmetic3A_8, %and3A_16, %broadcast_in_dim3A], %get3A_346 : memref<4x8x129xf32, #tpu.memory_space<vmem>>[vector<16xi32>, vector<16xi32>, vector<16xi32>], vector<16xf32>,
          %scan3A_347 = arith.constant 1 : i32
          %scan3A_348 = arith.addi %scan3A_333, %scan3A_347 : i32
          %mul3A_349 = arith.constant 1 : i32
          %mul3A_350 = arith.muli %scan3A_348, %mul3A_349 : i32
          %add3A_351 = arith.constant 0 : i32
          %add3A_352 = arith.addi %add3A_351, %mul3A_350 : i32
          %broadcast_in_dim3A_353 = vector.broadcast %add3A_352 : i32 to vector<16xi32>
          %add3A_354 = arith.constant 0 : i32
          %add3A_355 = arith.addi %add3A_354, %add3A_352 : i32
          %get3A_356 = arith.index_cast %add3A_355 : i32 to index
          %get3A_357 = arith.constant 0 : index
          %get3A_358 = tpu.vector_load %arg6[%get3A_356, %get3A_357] {strides = array<i32>} : memref<256x32xf32, #tpu.memory_space<vmem>>, vector<16xf32>,
          tpu.vector_store_idx %arg8[%shift_right_arithmetic3A_2, %and3A_10, %broadcast_in_dim3A_353], %get3A_358 : memref<4x8x129xf32, #tpu.memory_space<vmem>>[vector<16xi32>, vector<16xi32>, vector<16xi32>], vector<16xf32>,
          %add3A_359 = arith.constant 0 : i32
          %add3A_360 = arith.addi %add3A_359, %add3A_352 : i32
          %get3A_361 = arith.index_cast %add3A_360 : i32 to index
          %get3A_362 = arith.constant 16 : index
          %get3A_363 = tpu.vector_load %arg6[%get3A_361, %get3A_362] {strides = array<i32>} : memref<256x32xf32, #tpu.memory_space<vmem>>, vector<16xf32>,
          tpu.vector_store_idx %arg8[%shift_right_arithmetic3A_8, %and3A_16, %broadcast_in_dim3A_353], %get3A_363 : memref<4x8x129xf32, #tpu.memory_space<vmem>>[vector<16xi32>, vector<16xi32>, vector<16xi32>], vector<16xf32>,
          %scan3A_364 = arith.constant 2 : i32
          %scan3A_365 = arith.addi %scan3A_333, %scan3A_364 : i32
          %mul3A_366 = arith.constant 1 : i32
          %mul3A_367 = arith.muli %scan3A_365, %mul3A_366 : i32
          %add3A_368 = arith.constant 0 : i32
          %add3A_369 = arith.addi %add3A_368, %mul3A_367 : i32
          %broadcast_in_dim3A_370 = vector.broadcast %add3A_369 : i32 to vector<16xi32>
          %add3A_371 = arith.constant 0 : i32
          %add3A_372 = arith.addi %add3A_371, %add3A_369 : i32
          %get3A_373 = arith.index_cast %add3A_372 : i32 to index
          %get3A_374 = arith.constant 0 : index
          %get3A_375 = tpu.vector_load %arg6[%get3A_373, %get3A_374] {strides = array<i32>} : memref<256x32xf32, #tpu.memory_space<vmem>>, vector<16xf32>,
          tpu.vector_store_idx %arg8[%shift_right_arithmetic3A_2, %and3A_10, %broadcast_in_dim3A_370], %get3A_375 : memref<4x8x129xf32, #tpu.memory_space<vmem>>[vector<16xi32>, vector<16xi32>, vector<16xi32>], vector<16xf32>,
          %add3A_376 = arith.constant 0 : i32
          %add3A_377 = arith.addi %add3A_376, %add3A_369 : i32
          %get3A_378 = arith.index_cast %add3A_377 : i32 to index
          %get3A_379 = arith.constant 16 : index
          %get3A_380 = tpu.vector_load %arg6[%get3A_378, %get3A_379] {strides = array<i32>} : memref<256x32xf32, #tpu.memory_space<vmem>>, vector<16xf32>,
          tpu.vector_store_idx %arg8[%shift_right_arithmetic3A_8, %and3A_16, %broadcast_in_dim3A_370], %get3A_380 : memref<4x8x129xf32, #tpu.memory_space<vmem>>[vector<16xi32>, vector<16xi32>, vector<16xi32>], vector<16xf32>,
          %scan3A_381 = arith.constant 3 : i32
          %scan3A_382 = arith.addi %scan3A_333, %scan3A_381 : i32
          %mul3A_383 = arith.constant 1 : i32
          %mul3A_384 = arith.muli %scan3A_382, %mul3A_383 : i32
          %add3A_385 = arith.constant 0 : i32
          %add3A_386 = arith.addi %add3A_385, %mul3A_384 : i32
          %broadcast_in_dim3A_387 = vector.broadcast %add3A_386 : i32 to vector<16xi32>
          %add3A_388 = arith.constant 0 : i32
          %add3A_389 = arith.addi %add3A_388, %add3A_386 : i32
          %get3A_390 = arith.index_cast %add3A_389 : i32 to index
          %get3A_391 = arith.constant 0 : index
          %get3A_392 = tpu.vector_load %arg6[%get3A_390, %get3A_391] {strides = array<i32>} : memref<256x32xf32, #tpu.memory_space<vmem>>, vector<16xf32>,
          tpu.vector_store_idx %arg8[%shift_right_arithmetic3A_2, %and3A_10, %broadcast_in_dim3A_387], %get3A_392 : memref<4x8x129xf32, #tpu.memory_space<vmem>>[vector<16xi32>, vector<16xi32>, vector<16xi32>], vector<16xf32>,
          %add3A_393 = arith.constant 0 : i32
          %add3A_394 = arith.addi %add3A_393, %add3A_386 : i32
          %get3A_395 = arith.index_cast %add3A_394 : i32 to index
          %get3A_396 = arith.constant 16 : index
          %get3A_397 = tpu.vector_load %arg6[%get3A_395, %get3A_396] {strides = array<i32>} : memref<256x32xf32, #tpu.memory_space<vmem>>, vector<16xf32>,
          tpu.vector_store_idx %arg8[%shift_right_arithmetic3A_8, %and3A_16, %broadcast_in_dim3A_387], %get3A_397 : memref<4x8x129xf32, #tpu.memory_space<vmem>>[vector<16xi32>, vector<16xi32>, vector<16xi32>], vector<16xf32>,
        }
        %scan3A_214 = arith.constant 128 : i32
        %mul3A_215 = arith.constant 2 : i32
        %mul3A_216 = arith.muli %mul3A_215, %mul3A_187 : i32
        %dma_start3A_217 = arith.constant 0 : i32
        %dma_start3A_218 = arith.constant 0 : i32
        %dma_start3A_219 = arith.constant 0 : i32
        %dma_start3A_220 = tpu.memref_slice %arg8[%dma_start3A_217, %dma_start3A_218, %dma_start3A_219] : memref<4x8x129xf32, #tpu.memory_space<vmem>> -> memref<4x8x128xf32, #tpu.memory_space<vmem>>
        %dma_start3A_221 = arith.constant 0 : i32
        %dma_start3A_222 = arith.constant 0 : i32
        %dma_start3A_223 = arith.constant 0 : i32
        %dma_start3A_224 = tpu.memref_slice %arg4[%mul3A_216, %dma_start3A_221, %add3A_28, %dma_start3A_222, %dma_start3A_223] : memref<50x4x128x8x128xf32, #tpu.memory_space<hbm>> -> memref<1x4x1x8x128xf32, #tpu.memory_space<hbm>>
        %dma_start3A_225 = tpu.memref_squeeze %dma_start3A_224 : memref<1x4x1x8x128xf32, #tpu.memory_space<hbm>> -> memref<4x8x128xf32, #tpu.memory_space<hbm>>
        %dma_start3A_226 = arith.constant 0 : i32
        %dma_start3A_227 = arith.constant 0 : i32
        %dma_start3A_228 = arith.constant 0 : i32
        %dma_start3A_229 = tpu.memref_slice %arg4[%mul3A_216, %dma_start3A_226, %add3A_28, %dma_start3A_227, %dma_start3A_228] : memref<50x4x128x8x128xf32, #tpu.memory_space<hbm>> -> memref<1x4x1x8x128xf32, #tpu.memory_space<hbm>>
        %dma_start3A_230 = tpu.memref_squeeze %dma_start3A_229 : memref<1x4x1x8x128xf32, #tpu.memory_space<hbm>> -> memref<4x8x128xf32, #tpu.memory_space<hbm>>
        %dma_start3A_231 = arith.constant 0 : i32
        %dma_start3A_232 = arith.constant 0 : i32
        %dma_start3A_233 = arith.constant 0 : i32
        %dma_start3A_234 = tpu.memref_slice %arg8[%dma_start3A_231, %dma_start3A_232, %dma_start3A_233] : memref<4x8x129xf32, #tpu.memory_space<vmem>> -> memref<4x8x128xf32, #tpu.memory_space<vmem>>
        tpu.enqueue_dma source(%dma_start3A_234 : memref<4x8x128xf32, #tpu.memory_space<vmem>>) target(%dma_start3A_230 : memref<4x8x128xf32, #tpu.memory_space<hbm>>) target_semaphore(%arg14 : memref<!tpu.dma_semaphore, #tpu.memory_space<semaphore_mem>>)
        %scan3A_235 = arith.constant 0 : i32
        %scan3A_236 = arith.constant 128 : i32
        %scan3A_237 = arith.addi %scan3A_235, %scan3A_236 : i32
        %scan3A_238 = arith.constant 4 : i32
        scf.for %scan3A_333 = %scan3A_235 to %scan3A_237 step %scan3A_238  : i32 {
          %mul3A_334 = arith.constant 1 : i32
          %mul3A_335 = arith.muli %scan3A_333, %mul3A_334 : i32
          %add3A_336 = arith.constant 0 : i32
          %add3A_337 = arith.addi %add3A_336, %mul3A_335 : i32
          %broadcast_in_dim3A = vector.broadcast %add3A_337 : i32 to vector<16xi32>
          %add3A_338 = arith.constant 128 : i32
          %add3A_339 = arith.addi %add3A_338, %add3A_337 : i32
          %get3A = arith.index_cast %add3A_339 : i32 to index
          %get3A_340 = arith.constant 0 : index
          %get3A_341 = tpu.vector_load %arg6[%get3A, %get3A_340] {strides = array<i32>} : memref<256x32xf32, #tpu.memory_space<vmem>>, vector<16xf32>,
          tpu.vector_store_idx %arg9[%shift_right_arithmetic3A_2, %and3A_10, %broadcast_in_dim3A], %get3A_341 : memref<4x8x129xf32, #tpu.memory_space<vmem>>[vector<16xi32>, vector<16xi32>, vector<16xi32>], vector<16xf32>,
          %add3A_342 = arith.constant 128 : i32
          %add3A_343 = arith.addi %add3A_342, %add3A_337 : i32
          %get3A_344 = arith.index_cast %add3A_343 : i32 to index
          %get3A_345 = arith.constant 16 : index
          %get3A_346 = tpu.vector_load %arg6[%get3A_344, %get3A_345] {strides = array<i32>} : memref<256x32xf32, #tpu.memory_space<vmem>>, vector<16xf32>,
          tpu.vector_store_idx %arg9[%shift_right_arithmetic3A_8, %and3A_16, %broadcast_in_dim3A], %get3A_346 : memref<4x8x129xf32, #tpu.memory_space<vmem>>[vector<16xi32>, vector<16xi32>, vector<16xi32>], vector<16xf32>,
          %scan3A_347 = arith.constant 1 : i32
          %scan3A_348 = arith.addi %scan3A_333, %scan3A_347 : i32
          %mul3A_349 = arith.constant 1 : i32
          %mul3A_350 = arith.muli %scan3A_348, %mul3A_349 : i32
          %add3A_351 = arith.constant 0 : i32
          %add3A_352 = arith.addi %add3A_351, %mul3A_350 : i32
          %broadcast_in_dim3A_353 = vector.broadcast %add3A_352 : i32 to vector<16xi32>
          %add3A_354 = arith.constant 128 : i32
          %add3A_355 = arith.addi %add3A_354, %add3A_352 : i32
          %get3A_356 = arith.index_cast %add3A_355 : i32 to index
          %get3A_357 = arith.constant 0 : index
          %get3A_358 = tpu.vector_load %arg6[%get3A_356, %get3A_357] {strides = array<i32>} : memref<256x32xf32, #tpu.memory_space<vmem>>, vector<16xf32>,
          tpu.vector_store_idx %arg9[%shift_right_arithmetic3A_2, %and3A_10, %broadcast_in_dim3A_353], %get3A_358 : memref<4x8x129xf32, #tpu.memory_space<vmem>>[vector<16xi32>, vector<16xi32>, vector<16xi32>], vector<16xf32>,
          %add3A_359 = arith.constant 128 : i32
          %add3A_360 = arith.addi %add3A_359, %add3A_352 : i32
          %get3A_361 = arith.index_cast %add3A_360 : i32 to index
          %get3A_362 = arith.constant 16 : index
          %get3A_363 = tpu.vector_load %arg6[%get3A_361, %get3A_362] {strides = array<i32>} : memref<256x32xf32, #tpu.memory_space<vmem>>, vector<16xf32>,
          tpu.vector_store_idx %arg9[%shift_right_arithmetic3A_8, %and3A_16, %broadcast_in_dim3A_353], %get3A_363 : memref<4x8x129xf32, #tpu.memory_space<vmem>>[vector<16xi32>, vector<16xi32>, vector<16xi32>], vector<16xf32>,
          %scan3A_364 = arith.constant 2 : i32
          %scan3A_365 = arith.addi %scan3A_333, %scan3A_364 : i32
          %mul3A_366 = arith.constant 1 : i32
          %mul3A_367 = arith.muli %scan3A_365, %mul3A_366 : i32
          %add3A_368 = arith.constant 0 : i32
          %add3A_369 = arith.addi %add3A_368, %mul3A_367 : i32
          %broadcast_in_dim3A_370 = vector.broadcast %add3A_369 : i32 to vector<16xi32>
          %add3A_371 = arith.constant 128 : i32
          %add3A_372 = arith.addi %add3A_371, %add3A_369 : i32
          %get3A_373 = arith.index_cast %add3A_372 : i32 to index
          %get3A_374 = arith.constant 0 : index
          %get3A_375 = tpu.vector_load %arg6[%get3A_373, %get3A_374] {strides = array<i32>} : memref<256x32xf32, #tpu.memory_space<vmem>>, vector<16xf32>,
          tpu.vector_store_idx %arg9[%shift_right_arithmetic3A_2, %and3A_10, %broadcast_in_dim3A_370], %get3A_375 : memref<4x8x129xf32, #tpu.memory_space<vmem>>[vector<16xi32>, vector<16xi32>, vector<16xi32>], vector<16xf32>,
          %add3A_376 = arith.constant 128 : i32
          %add3A_377 = arith.addi %add3A_376, %add3A_369 : i32
          %get3A_378 = arith.index_cast %add3A_377 : i32 to index
          %get3A_379 = arith.constant 16 : index
          %get3A_380 = tpu.vector_load %arg6[%get3A_378, %get3A_379] {strides = array<i32>} : memref<256x32xf32, #tpu.memory_space<vmem>>, vector<16xf32>,
          tpu.vector_store_idx %arg9[%shift_right_arithmetic3A_8, %and3A_16, %broadcast_in_dim3A_370], %get3A_380 : memref<4x8x129xf32, #tpu.memory_space<vmem>>[vector<16xi32>, vector<16xi32>, vector<16xi32>], vector<16xf32>,
          %scan3A_381 = arith.constant 3 : i32
          %scan3A_382 = arith.addi %scan3A_333, %scan3A_381 : i32
          %mul3A_383 = arith.constant 1 : i32
          %mul3A_384 = arith.muli %scan3A_382, %mul3A_383 : i32
          %add3A_385 = arith.constant 0 : i32
          %add3A_386 = arith.addi %add3A_385, %mul3A_384 : i32
          %broadcast_in_dim3A_387 = vector.broadcast %add3A_386 : i32 to vector<16xi32>
          %add3A_388 = arith.constant 128 : i32
          %add3A_389 = arith.addi %add3A_388, %add3A_386 : i32
          %get3A_390 = arith.index_cast %add3A_389 : i32 to index
          %get3A_391 = arith.constant 0 : index
          %get3A_392 = tpu.vector_load %arg6[%get3A_390, %get3A_391] {strides = array<i32>} : memref<256x32xf32, #tpu.memory_space<vmem>>, vector<16xf32>,
          tpu.vector_store_idx %arg9[%shift_right_arithmetic3A_2, %and3A_10, %broadcast_in_dim3A_387], %get3A_392 : memref<4x8x129xf32, #tpu.memory_space<vmem>>[vector<16xi32>, vector<16xi32>, vector<16xi32>], vector<16xf32>,
          %add3A_393 = arith.constant 128 : i32
          %add3A_394 = arith.addi %add3A_393, %add3A_386 : i32
          %get3A_395 = arith.index_cast %add3A_394 : i32 to index
          %get3A_396 = arith.constant 16 : index
          %get3A_397 = tpu.vector_load %arg6[%get3A_395, %get3A_396] {strides = array<i32>} : memref<256x32xf32, #tpu.memory_space<vmem>>, vector<16xf32>,
          tpu.vector_store_idx %arg9[%shift_right_arithmetic3A_8, %and3A_16, %broadcast_in_dim3A_387], %get3A_397 : memref<4x8x129xf32, #tpu.memory_space<vmem>>[vector<16xi32>, vector<16xi32>, vector<16xi32>], vector<16xf32>,
        }
        %scan3A_239 = arith.constant 128 : i32
        %mul3A_240 = arith.constant 2 : i32
        %mul3A_241 = arith.muli %mul3A_240, %mul3A_187 : i32
        %add3A_242 = arith.constant 1 : i32
        %add3A_243 = arith.addi %mul3A_241, %add3A_242 : i32
        %dma_start3A_244 = arith.constant 0 : i32
        %dma_start3A_245 = arith.constant 0 : i32
        %dma_start3A_246 = arith.constant 0 : i32
        %dma_start3A_247 = tpu.memref_slice %arg9[%dma_start3A_244, %dma_start3A_245, %dma_start3A_246] : memref<4x8x129xf32, #tpu.memory_space<vmem>> -> memref<4x8x128xf32, #tpu.memory_space<vmem>>
        %dma_start3A_248 = arith.constant 0 : i32
        %dma_start3A_249 = arith.constant 0 : i32
        %dma_start3A_250 = arith.constant 0 : i32
        %dma_start3A_251 = tpu.memref_slice %arg4[%add3A_243, %dma_start3A_248, %add3A_28, %dma_start3A_249, %dma_start3A_250] : memref<50x4x128x8x128xf32, #tpu.memory_space<hbm>> -> memref<1x4x1x8x128xf32, #tpu.memory_space<hbm>>
        %dma_start3A_252 = tpu.memref_squeeze %dma_start3A_251 : memref<1x4x1x8x128xf32, #tpu.memory_space<hbm>> -> memref<4x8x128xf32, #tpu.memory_space<hbm>>
        %dma_start3A_253 = arith.constant 0 : i32
        %dma_start3A_254 = arith.constant 0 : i32
        %dma_start3A_255 = arith.constant 0 : i32
        %dma_start3A_256 = tpu.memref_slice %arg4[%add3A_243, %dma_start3A_253, %add3A_28, %dma_start3A_254, %dma_start3A_255] : memref<50x4x128x8x128xf32, #tpu.memory_space<hbm>> -> memref<1x4x1x8x128xf32, #tpu.memory_space<hbm>>
        %dma_start3A_257 = tpu.memref_squeeze %dma_start3A_256 : memref<1x4x1x8x128xf32, #tpu.memory_space<hbm>> -> memref<4x8x128xf32, #tpu.memory_space<hbm>>
        %dma_start3A_258 = arith.constant 0 : i32
        %dma_start3A_259 = arith.constant 0 : i32
        %dma_start3A_260 = arith.constant 0 : i32
        %dma_start3A_261 = tpu.memref_slice %arg9[%dma_start3A_258, %dma_start3A_259, %dma_start3A_260] : memref<4x8x129xf32, #tpu.memory_space<vmem>> -> memref<4x8x128xf32, #tpu.memory_space<vmem>>
        tpu.enqueue_dma source(%dma_start3A_261 : memref<4x8x128xf32, #tpu.memory_space<vmem>>) target(%dma_start3A_257 : memref<4x8x128xf32, #tpu.memory_space<hbm>>) target_semaphore(%arg14 : memref<!tpu.dma_semaphore, #tpu.memory_space<semaphore_mem>>)
        %lt3A = arith.constant 11 : i32
        %lt3A_262 = arith.cmpi slt, %add3A_185, %lt3A : i32
        %convert_element_type3A_263 = arith.extui %lt3A_262 : i1 to i32
        %cond3A_264 = arith.constant 0 : i32
        %cond3A_265 = arith.cmpi ne, %convert_element_type3A_263, %cond3A_264 : i32
        scf.if %cond3A_265 {
          %add3A_333 = arith.constant 2 : i32
          %add3A_334 = arith.addi %mul3A_187, %add3A_333 : i32
          %mul3A_335 = arith.constant 2 : i32
          %mul3A_336 = arith.muli %add3A_334, %mul3A_335 : i32
          %mul3A_337 = arith.constant 128 : i32
          %mul3A_338 = arith.muli %mul3A_336, %mul3A_337 : i32
          %dma_start3A_339 = tpu.memref_slice %arg5[%mul3A_338] : memref<6400xi32, #tpu.memory_space<vmem>> -> memref<256xi32, #tpu.memory_space<vmem>>
          %dma_start3A_340 = arith.constant 0 : i32
          %dma_start3A_341 = arith.constant 0 : i32
          %dma_start3A_342 = tpu.memref_slice %arg3[%dma_start3A_340, %dma_start3A_341] : memref<1000000x32xf32, #tpu.memory_space<hbm>> -> memref<1000000x32xf32, #tpu.memory_space<hbm>>
          tpu.enqueue_indirect_dma source(%dma_start3A_342 : memref<1000000x32xf32, #tpu.memory_space<hbm>>) target(%arg6 : memref<256x32xf32, #tpu.memory_space<vmem>>) offsets(%dma_start3A_339 : memref<256xi32, #tpu.memory_space<vmem>>) semaphore(%arg12 : memref<!tpu.dma_semaphore, #tpu.memory_space<semaphore_mem>>)
        } else {
        }
        %dma_wait3A_266 = arith.constant 0 : i32
        %dma_wait3A_267 = arith.constant 0 : i32
        %dma_wait3A_268 = tpu.memref_slice %arg3[%dma_wait3A_266, %dma_wait3A_267] : memref<1000000x32xf32, #tpu.memory_space<hbm>> -> memref<256x32xf32, #tpu.memory_space<hbm>>
        %dma_wait3A_269 = arith.constant 0 : i32
        %dma_wait3A_270 = arith.constant 0 : i32
        %dma_wait3A_271 = tpu.memref_slice %arg3[%dma_wait3A_269, %dma_wait3A_270] : memref<1000000x32xf32, #tpu.memory_space<hbm>> -> memref<256x32xf32, #tpu.memory_space<hbm>>
        tpu.wait_dma2 semaphore(%arg13 : memref<!tpu.dma_semaphore, #tpu.memory_space<semaphore_mem>>) src(%dma_wait3A_271 : memref<256x32xf32, #tpu.memory_space<hbm>>) dst(%arg7 : memref<256x32xf32, #tpu.memory_space<vmem>>)
        %add3A_272 = arith.constant 1 : i32
        %add3A_273 = arith.addi %mul3A_187, %add3A_272 : i32
        %eq3A_274 = arith.constant 0 : i32
        %eq3A_275 = arith.cmpi eq, %add3A_185, %eq3A_274 : i32
        %not3A_276 = arith.constant true
        %not3A_277 = arith.xori %eq3A_275, %not3A_276 : i1
        %convert_element_type3A_278 = arith.extui %not3A_277 : i1 to i32
        %cond3A_279 = arith.constant 0 : i32
        %cond3A_280 = arith.cmpi ne, %convert_element_type3A_278, %cond3A_279 : i32
        scf.if %cond3A_280 {
          %dma_wait3A_333 = arith.constant 0 : i32
          %dma_wait3A_334 = arith.constant 0 : i32
          %dma_wait3A_335 = arith.constant 0 : i32
          %dma_wait3A_336 = arith.constant 0 : i32
          %dma_wait3A_337 = arith.constant 0 : i32
          %dma_wait3A_338 = tpu.memref_slice %arg10[%dma_wait3A_335, %dma_wait3A_336, %dma_wait3A_337] : memref<4x8x129xf32, #tpu.memory_space<vmem>> -> memref<4x8x128xf32, #tpu.memory_space<vmem>>
          %dma_wait3A_339 = arith.constant 0 : i32
          %dma_wait3A_340 = arith.constant 0 : i32
          %dma_wait3A_341 = arith.constant 0 : i32
          %dma_wait3A_342 = tpu.memref_slice %arg4[%dma_wait3A_333, %dma_wait3A_339, %dma_wait3A_334, %dma_wait3A_340, %dma_wait3A_341] : memref<50x4x128x8x128xf32, #tpu.memory_space<hbm>> -> memref<1x4x1x8x128xf32, #tpu.memory_space<hbm>>
          %dma_wait3A_343 = tpu.memref_squeeze %dma_wait3A_342 : memref<1x4x1x8x128xf32, #tpu.memory_space<hbm>> -> memref<4x8x128xf32, #tpu.memory_space<hbm>>
          %dma_wait3A_344 = arith.constant 0 : i32
          %dma_wait3A_345 = arith.constant 0 : i32
          %dma_wait3A_346 = arith.constant 0 : i32
          %dma_wait3A_347 = tpu.memref_slice %arg10[%dma_wait3A_344, %dma_wait3A_345, %dma_wait3A_346] : memref<4x8x129xf32, #tpu.memory_space<vmem>> -> memref<4x8x128xf32, #tpu.memory_space<vmem>>
          %dma_wait3A_348 = arith.constant 0 : i32
          %dma_wait3A_349 = arith.constant 0 : i32
          %dma_wait3A_350 = arith.constant 0 : i32
          %dma_wait3A_351 = tpu.memref_slice %arg4[%dma_wait3A_333, %dma_wait3A_348, %dma_wait3A_334, %dma_wait3A_349, %dma_wait3A_350] : memref<50x4x128x8x128xf32, #tpu.memory_space<hbm>> -> memref<1x4x1x8x128xf32, #tpu.memory_space<hbm>>
          %dma_wait3A_352 = tpu.memref_squeeze %dma_wait3A_351 : memref<1x4x1x8x128xf32, #tpu.memory_space<hbm>> -> memref<4x8x128xf32, #tpu.memory_space<hbm>>
          tpu.wait_dma2 semaphore(%arg15 : memref<!tpu.dma_semaphore, #tpu.memory_space<semaphore_mem>>) src(%dma_wait3A_352 : memref<4x8x128xf32, #tpu.memory_space<hbm>>) dst(%dma_wait3A_347 : memref<4x8x128xf32, #tpu.memory_space<vmem>>)
          %dma_wait3A_353 = arith.constant 0 : i32
          %dma_wait3A_354 = arith.constant 0 : i32
          %dma_wait3A_355 = arith.constant 0 : i32
          %dma_wait3A_356 = arith.constant 0 : i32
          %dma_wait3A_357 = arith.constant 0 : i32
          %dma_wait3A_358 = tpu.memref_slice %arg11[%dma_wait3A_355, %dma_wait3A_356, %dma_wait3A_357] : memref<4x8x129xf32, #tpu.memory_space<vmem>> -> memref<4x8x128xf32, #tpu.memory_space<vmem>>
          %dma_wait3A_359 = arith.constant 0 : i32
          %dma_wait3A_360 = arith.constant 0 : i32
          %dma_wait3A_361 = arith.constant 0 : i32
          %dma_wait3A_362 = tpu.memref_slice %arg4[%dma_wait3A_353, %dma_wait3A_359, %dma_wait3A_354, %dma_wait3A_360, %dma_wait3A_361] : memref<50x4x128x8x128xf32, #tpu.memory_space<hbm>> -> memref<1x4x1x8x128xf32, #tpu.memory_space<hbm>>
          %dma_wait3A_363 = tpu.memref_squeeze %dma_wait3A_362 : memref<1x4x1x8x128xf32, #tpu.memory_space<hbm>> -> memref<4x8x128xf32, #tpu.memory_space<hbm>>
          %dma_wait3A_364 = arith.constant 0 : i32
          %dma_wait3A_365 = arith.constant 0 : i32
          %dma_wait3A_366 = arith.constant 0 : i32
          %dma_wait3A_367 = tpu.memref_slice %arg11[%dma_wait3A_364, %dma_wait3A_365, %dma_wait3A_366] : memref<4x8x129xf32, #tpu.memory_space<vmem>> -> memref<4x8x128xf32, #tpu.memory_space<vmem>>
          %dma_wait3A_368 = arith.constant 0 : i32
          %dma_wait3A_369 = arith.constant 0 : i32
          %dma_wait3A_370 = arith.constant 0 : i32
          %dma_wait3A_371 = tpu.memref_slice %arg4[%dma_wait3A_353, %dma_wait3A_368, %dma_wait3A_354, %dma_wait3A_369, %dma_wait3A_370] : memref<50x4x128x8x128xf32, #tpu.memory_space<hbm>> -> memref<1x4x1x8x128xf32, #tpu.memory_space<hbm>>
          %dma_wait3A_372 = tpu.memref_squeeze %dma_wait3A_371 : memref<1x4x1x8x128xf32, #tpu.memory_space<hbm>> -> memref<4x8x128xf32, #tpu.memory_space<hbm>>
          tpu.wait_dma2 semaphore(%arg15 : memref<!tpu.dma_semaphore, #tpu.memory_space<semaphore_mem>>) src(%dma_wait3A_372 : memref<4x8x128xf32, #tpu.memory_space<hbm>>) dst(%dma_wait3A_367 : memref<4x8x128xf32, #tpu.memory_space<vmem>>)
        } else {
        }
        %scan3A_281 = arith.constant 0 : i32
        %scan3A_282 = arith.constant 128 : i32
        %scan3A_283 = arith.addi %scan3A_281, %scan3A_282 : i32
        %scan3A_284 = arith.constant 4 : i32
        scf.for %scan3A_333 = %scan3A_281 to %scan3A_283 step %scan3A_284  : i32 {
          %mul3A_334 = arith.constant 1 : i32
          %mul3A_335 = arith.muli %scan3A_333, %mul3A_334 : i32
          %add3A_336 = arith.constant 0 : i32
          %add3A_337 = arith.addi %add3A_336, %mul3A_335 : i32
          %broadcast_in_dim3A = vector.broadcast %add3A_337 : i32 to vector<16xi32>
          %add3A_338 = arith.constant 0 : i32
          %add3A_339 = arith.addi %add3A_338, %add3A_337 : i32
          %get3A = arith.index_cast %add3A_339 : i32 to index
          %get3A_340 = arith.constant 0 : index
          %get3A_341 = tpu.vector_load %arg7[%get3A, %get3A_340] {strides = array<i32>} : memref<256x32xf32, #tpu.memory_space<vmem>>, vector<16xf32>,
          tpu.vector_store_idx %arg10[%shift_right_arithmetic3A_2, %and3A_10, %broadcast_in_dim3A], %get3A_341 : memref<4x8x129xf32, #tpu.memory_space<vmem>>[vector<16xi32>, vector<16xi32>, vector<16xi32>], vector<16xf32>,
          %add3A_342 = arith.constant 0 : i32
          %add3A_343 = arith.addi %add3A_342, %add3A_337 : i32
          %get3A_344 = arith.index_cast %add3A_343 : i32 to index
          %get3A_345 = arith.constant 16 : index
          %get3A_346 = tpu.vector_load %arg7[%get3A_344, %get3A_345] {strides = array<i32>} : memref<256x32xf32, #tpu.memory_space<vmem>>, vector<16xf32>,
          tpu.vector_store_idx %arg10[%shift_right_arithmetic3A_8, %and3A_16, %broadcast_in_dim3A], %get3A_346 : memref<4x8x129xf32, #tpu.memory_space<vmem>>[vector<16xi32>, vector<16xi32>, vector<16xi32>], vector<16xf32>,
          %scan3A_347 = arith.constant 1 : i32
          %scan3A_348 = arith.addi %scan3A_333, %scan3A_347 : i32
          %mul3A_349 = arith.constant 1 : i32
          %mul3A_350 = arith.muli %scan3A_348, %mul3A_349 : i32
          %add3A_351 = arith.constant 0 : i32
          %add3A_352 = arith.addi %add3A_351, %mul3A_350 : i32
          %broadcast_in_dim3A_353 = vector.broadcast %add3A_352 : i32 to vector<16xi32>
          %add3A_354 = arith.constant 0 : i32
          %add3A_355 = arith.addi %add3A_354, %add3A_352 : i32
          %get3A_356 = arith.index_cast %add3A_355 : i32 to index
          %get3A_357 = arith.constant 0 : index
          %get3A_358 = tpu.vector_load %arg7[%get3A_356, %get3A_357] {strides = array<i32>} : memref<256x32xf32, #tpu.memory_space<vmem>>, vector<16xf32>,
          tpu.vector_store_idx %arg10[%shift_right_arithmetic3A_2, %and3A_10, %broadcast_in_dim3A_353], %get3A_358 : memref<4x8x129xf32, #tpu.memory_space<vmem>>[vector<16xi32>, vector<16xi32>, vector<16xi32>], vector<16xf32>,
          %add3A_359 = arith.constant 0 : i32
          %add3A_360 = arith.addi %add3A_359, %add3A_352 : i32
          %get3A_361 = arith.index_cast %add3A_360 : i32 to index
          %get3A_362 = arith.constant 16 : index
          %get3A_363 = tpu.vector_load %arg7[%get3A_361, %get3A_362] {strides = array<i32>} : memref<256x32xf32, #tpu.memory_space<vmem>>, vector<16xf32>,
          tpu.vector_store_idx %arg10[%shift_right_arithmetic3A_8, %and3A_16, %broadcast_in_dim3A_353], %get3A_363 : memref<4x8x129xf32, #tpu.memory_space<vmem>>[vector<16xi32>, vector<16xi32>, vector<16xi32>], vector<16xf32>,
          %scan3A_364 = arith.constant 2 : i32
          %scan3A_365 = arith.addi %scan3A_333, %scan3A_364 : i32
          %mul3A_366 = arith.constant 1 : i32
          %mul3A_367 = arith.muli %scan3A_365, %mul3A_366 : i32
          %add3A_368 = arith.constant 0 : i32
          %add3A_369 = arith.addi %add3A_368, %mul3A_367 : i32
          %broadcast_in_dim3A_370 = vector.broadcast %add3A_369 : i32 to vector<16xi32>
          %add3A_371 = arith.constant 0 : i32
          %add3A_372 = arith.addi %add3A_371, %add3A_369 : i32
          %get3A_373 = arith.index_cast %add3A_372 : i32 to index
          %get3A_374 = arith.constant 0 : index
          %get3A_375 = tpu.vector_load %arg7[%get3A_373, %get3A_374] {strides = array<i32>} : memref<256x32xf32, #tpu.memory_space<vmem>>, vector<16xf32>,
          tpu.vector_store_idx %arg10[%shift_right_arithmetic3A_2, %and3A_10, %broadcast_in_dim3A_370], %get3A_375 : memref<4x8x129xf32, #tpu.memory_space<vmem>>[vector<16xi32>, vector<16xi32>, vector<16xi32>], vector<16xf32>,
          %add3A_376 = arith.constant 0 : i32
          %add3A_377 = arith.addi %add3A_376, %add3A_369 : i32
          %get3A_378 = arith.index_cast %add3A_377 : i32 to index
          %get3A_379 = arith.constant 16 : index
          %get3A_380 = tpu.vector_load %arg7[%get3A_378, %get3A_379] {strides = array<i32>} : memref<256x32xf32, #tpu.memory_space<vmem>>, vector<16xf32>,
          tpu.vector_store_idx %arg10[%shift_right_arithmetic3A_8, %and3A_16, %broadcast_in_dim3A_370], %get3A_380 : memref<4x8x129xf32, #tpu.memory_space<vmem>>[vector<16xi32>, vector<16xi32>, vector<16xi32>], vector<16xf32>,
          %scan3A_381 = arith.constant 3 : i32
          %scan3A_382 = arith.addi %scan3A_333, %scan3A_381 : i32
          %mul3A_383 = arith.constant 1 : i32
          %mul3A_384 = arith.muli %scan3A_382, %mul3A_383 : i32
          %add3A_385 = arith.constant 0 : i32
          %add3A_386 = arith.addi %add3A_385, %mul3A_384 : i32
          %broadcast_in_dim3A_387 = vector.broadcast %add3A_386 : i32 to vector<16xi32>
          %add3A_388 = arith.constant 0 : i32
          %add3A_389 = arith.addi %add3A_388, %add3A_386 : i32
          %get3A_390 = arith.index_cast %add3A_389 : i32 to index
          %get3A_391 = arith.constant 0 : index
          %get3A_392 = tpu.vector_load %arg7[%get3A_390, %get3A_391] {strides = array<i32>} : memref<256x32xf32, #tpu.memory_space<vmem>>, vector<16xf32>,
          tpu.vector_store_idx %arg10[%shift_right_arithmetic3A_2, %and3A_10, %broadcast_in_dim3A_387], %get3A_392 : memref<4x8x129xf32, #tpu.memory_space<vmem>>[vector<16xi32>, vector<16xi32>, vector<16xi32>], vector<16xf32>,
          %add3A_393 = arith.constant 0 : i32
          %add3A_394 = arith.addi %add3A_393, %add3A_386 : i32
          %get3A_395 = arith.index_cast %add3A_394 : i32 to index
          %get3A_396 = arith.constant 16 : index
          %get3A_397 = tpu.vector_load %arg7[%get3A_395, %get3A_396] {strides = array<i32>} : memref<256x32xf32, #tpu.memory_space<vmem>>, vector<16xf32>,
          tpu.vector_store_idx %arg10[%shift_right_arithmetic3A_8, %and3A_16, %broadcast_in_dim3A_387], %get3A_397 : memref<4x8x129xf32, #tpu.memory_space<vmem>>[vector<16xi32>, vector<16xi32>, vector<16xi32>], vector<16xf32>,
        }
        %scan3A_285 = arith.constant 128 : i32
        %mul3A_286 = arith.constant 2 : i32
        %mul3A_287 = arith.muli %mul3A_286, %add3A_273 : i32
        %dma_start3A_288 = arith.constant 0 : i32
        %dma_start3A_289 = arith.constant 0 : i32
        %dma_start3A_290 = arith.constant 0 : i32
        %dma_start3A_291 = tpu.memref_slice %arg10[%dma_start3A_288, %dma_start3A_289, %dma_start3A_290] : memref<4x8x129xf32, #tpu.memory_space<vmem>> -> memref<4x8x128xf32, #tpu.memory_space<vmem>>
        %dma_start3A_292 = arith.constant 0 : i32
        %dma_start3A_293 = arith.constant 0 : i32
        %dma_start3A_294 = arith.constant 0 : i32
        %dma_start3A_295 = tpu.memref_slice %arg4[%mul3A_287, %dma_start3A_292, %add3A_28, %dma_start3A_293, %dma_start3A_294] : memref<50x4x128x8x128xf32, #tpu.memory_space<hbm>> -> memref<1x4x1x8x128xf32, #tpu.memory_space<hbm>>
        %dma_start3A_296 = tpu.memref_squeeze %dma_start3A_295 : memref<1x4x1x8x128xf32, #tpu.memory_space<hbm>> -> memref<4x8x128xf32, #tpu.memory_space<hbm>>
        %dma_start3A_297 = arith.constant 0 : i32
        %dma_start3A_298 = arith.constant 0 : i32
        %dma_start3A_299 = arith.constant 0 : i32
        %dma_start3A_300 = tpu.memref_slice %arg4[%mul3A_287, %dma_start3A_297, %add3A_28, %dma_start3A_298, %dma_start3A_299] : memref<50x4x128x8x128xf32, #tpu.memory_space<hbm>> -> memref<1x4x1x8x128xf32, #tpu.memory_space<hbm>>
        %dma_start3A_301 = tpu.memref_squeeze %dma_start3A_300 : memref<1x4x1x8x128xf32, #tpu.memory_space<hbm>> -> memref<4x8x128xf32, #tpu.memory_space<hbm>>
        %dma_start3A_302 = arith.constant 0 : i32
        %dma_start3A_303 = arith.constant 0 : i32
        %dma_start3A_304 = arith.constant 0 : i32
        %dma_start3A_305 = tpu.memref_slice %arg10[%dma_start3A_302, %dma_start3A_303, %dma_start3A_304] : memref<4x8x129xf32, #tpu.memory_space<vmem>> -> memref<4x8x128xf32, #tpu.memory_space<vmem>>
        tpu.enqueue_dma source(%dma_start3A_305 : memref<4x8x128xf32, #tpu.memory_space<vmem>>) target(%dma_start3A_301 : memref<4x8x128xf32, #tpu.memory_space<hbm>>) target_semaphore(%arg15 : memref<!tpu.dma_semaphore, #tpu.memory_space<semaphore_mem>>)
        %scan3A_306 = arith.constant 0 : i32
        %scan3A_307 = arith.constant 128 : i32
        %scan3A_308 = arith.addi %scan3A_306, %scan3A_307 : i32
        %scan3A_309 = arith.constant 4 : i32
        scf.for %scan3A_333 = %scan3A_306 to %scan3A_308 step %scan3A_309  : i32 {
          %mul3A_334 = arith.constant 1 : i32
          %mul3A_335 = arith.muli %scan3A_333, %mul3A_334 : i32
          %add3A_336 = arith.constant 0 : i32
          %add3A_337 = arith.addi %add3A_336, %mul3A_335 : i32
          %broadcast_in_dim3A = vector.broadcast %add3A_337 : i32 to vector<16xi32>
          %add3A_338 = arith.constant 128 : i32
          %add3A_339 = arith.addi %add3A_338, %add3A_337 : i32
          %get3A = arith.index_cast %add3A_339 : i32 to index
          %get3A_340 = arith.constant 0 : index
          %get3A_341 = tpu.vector_load %arg7[%get3A, %get3A_340] {strides = array<i32>} : memref<256x32xf32, #tpu.memory_space<vmem>>, vector<16xf32>,
          tpu.vector_store_idx %arg11[%shift_right_arithmetic3A_2, %and3A_10, %broadcast_in_dim3A], %get3A_341 : memref<4x8x129xf32, #tpu.memory_space<vmem>>[vector<16xi32>, vector<16xi32>, vector<16xi32>], vector<16xf32>,
          %add3A_342 = arith.constant 128 : i32
          %add3A_343 = arith.addi %add3A_342, %add3A_337 : i32
          %get3A_344 = arith.index_cast %add3A_343 : i32 to index
          %get3A_345 = arith.constant 16 : index
          %get3A_346 = tpu.vector_load %arg7[%get3A_344, %get3A_345] {strides = array<i32>} : memref<256x32xf32, #tpu.memory_space<vmem>>, vector<16xf32>,
          tpu.vector_store_idx %arg11[%shift_right_arithmetic3A_8, %and3A_16, %broadcast_in_dim3A], %get3A_346 : memref<4x8x129xf32, #tpu.memory_space<vmem>>[vector<16xi32>, vector<16xi32>, vector<16xi32>], vector<16xf32>,
          %scan3A_347 = arith.constant 1 : i32
          %scan3A_348 = arith.addi %scan3A_333, %scan3A_347 : i32
          %mul3A_349 = arith.constant 1 : i32
          %mul3A_350 = arith.muli %scan3A_348, %mul3A_349 : i32
          %add3A_351 = arith.constant 0 : i32
          %add3A_352 = arith.addi %add3A_351, %mul3A_350 : i32
          %broadcast_in_dim3A_353 = vector.broadcast %add3A_352 : i32 to vector<16xi32>
          %add3A_354 = arith.constant 128 : i32
          %add3A_355 = arith.addi %add3A_354, %add3A_352 : i32
          %get3A_356 = arith.index_cast %add3A_355 : i32 to index
          %get3A_357 = arith.constant 0 : index
          %get3A_358 = tpu.vector_load %arg7[%get3A_356, %get3A_357] {strides = array<i32>} : memref<256x32xf32, #tpu.memory_space<vmem>>, vector<16xf32>,
          tpu.vector_store_idx %arg11[%shift_right_arithmetic3A_2, %and3A_10, %broadcast_in_dim3A_353], %get3A_358 : memref<4x8x129xf32, #tpu.memory_space<vmem>>[vector<16xi32>, vector<16xi32>, vector<16xi32>], vector<16xf32>,
          %add3A_359 = arith.constant 128 : i32
          %add3A_360 = arith.addi %add3A_359, %add3A_352 : i32
          %get3A_361 = arith.index_cast %add3A_360 : i32 to index
          %get3A_362 = arith.constant 16 : index
          %get3A_363 = tpu.vector_load %arg7[%get3A_361, %get3A_362] {strides = array<i32>} : memref<256x32xf32, #tpu.memory_space<vmem>>, vector<16xf32>,
          tpu.vector_store_idx %arg11[%shift_right_arithmetic3A_8, %and3A_16, %broadcast_in_dim3A_353], %get3A_363 : memref<4x8x129xf32, #tpu.memory_space<vmem>>[vector<16xi32>, vector<16xi32>, vector<16xi32>], vector<16xf32>,
          %scan3A_364 = arith.constant 2 : i32
          %scan3A_365 = arith.addi %scan3A_333, %scan3A_364 : i32
          %mul3A_366 = arith.constant 1 : i32
          %mul3A_367 = arith.muli %scan3A_365, %mul3A_366 : i32
          %add3A_368 = arith.constant 0 : i32
          %add3A_369 = arith.addi %add3A_368, %mul3A_367 : i32
          %broadcast_in_dim3A_370 = vector.broadcast %add3A_369 : i32 to vector<16xi32>
          %add3A_371 = arith.constant 128 : i32
          %add3A_372 = arith.addi %add3A_371, %add3A_369 : i32
          %get3A_373 = arith.index_cast %add3A_372 : i32 to index
          %get3A_374 = arith.constant 0 : index
          %get3A_375 = tpu.vector_load %arg7[%get3A_373, %get3A_374] {strides = array<i32>} : memref<256x32xf32, #tpu.memory_space<vmem>>, vector<16xf32>,
          tpu.vector_store_idx %arg11[%shift_right_arithmetic3A_2, %and3A_10, %broadcast_in_dim3A_370], %get3A_375 : memref<4x8x129xf32, #tpu.memory_space<vmem>>[vector<16xi32>, vector<16xi32>, vector<16xi32>], vector<16xf32>,
          %add3A_376 = arith.constant 128 : i32
          %add3A_377 = arith.addi %add3A_376, %add3A_369 : i32
          %get3A_378 = arith.index_cast %add3A_377 : i32 to index
          %get3A_379 = arith.constant 16 : index
          %get3A_380 = tpu.vector_load %arg7[%get3A_378, %get3A_379] {strides = array<i32>} : memref<256x32xf32, #tpu.memory_space<vmem>>, vector<16xf32>,
          tpu.vector_store_idx %arg11[%shift_right_arithmetic3A_8, %and3A_16, %broadcast_in_dim3A_370], %get3A_380 : memref<4x8x129xf32, #tpu.memory_space<vmem>>[vector<16xi32>, vector<16xi32>, vector<16xi32>], vector<16xf32>,
          %scan3A_381 = arith.constant 3 : i32
          %scan3A_382 = arith.addi %scan3A_333, %scan3A_381 : i32
          %mul3A_383 = arith.constant 1 : i32
          %mul3A_384 = arith.muli %scan3A_382, %mul3A_383 : i32
          %add3A_385 = arith.constant 0 : i32
          %add3A_386 = arith.addi %add3A_385, %mul3A_384 : i32
          %broadcast_in_dim3A_387 = vector.broadcast %add3A_386 : i32 to vector<16xi32>
          %add3A_388 = arith.constant 128 : i32
          %add3A_389 = arith.addi %add3A_388, %add3A_386 : i32
          %get3A_390 = arith.index_cast %add3A_389 : i32 to index
          %get3A_391 = arith.constant 0 : index
          %get3A_392 = tpu.vector_load %arg7[%get3A_390, %get3A_391] {strides = array<i32>} : memref<256x32xf32, #tpu.memory_space<vmem>>, vector<16xf32>,
          tpu.vector_store_idx %arg11[%shift_right_arithmetic3A_2, %and3A_10, %broadcast_in_dim3A_387], %get3A_392 : memref<4x8x129xf32, #tpu.memory_space<vmem>>[vector<16xi32>, vector<16xi32>, vector<16xi32>], vector<16xf32>,
          %add3A_393 = arith.constant 128 : i32
          %add3A_394 = arith.addi %add3A_393, %add3A_386 : i32
          %get3A_395 = arith.index_cast %add3A_394 : i32 to index
          %get3A_396 = arith.constant 16 : index
          %get3A_397 = tpu.vector_load %arg7[%get3A_395, %get3A_396] {strides = array<i32>} : memref<256x32xf32, #tpu.memory_space<vmem>>, vector<16xf32>,
          tpu.vector_store_idx %arg11[%shift_right_arithmetic3A_8, %and3A_16, %broadcast_in_dim3A_387], %get3A_397 : memref<4x8x129xf32, #tpu.memory_space<vmem>>[vector<16xi32>, vector<16xi32>, vector<16xi32>], vector<16xf32>,
        }
        %scan3A_310 = arith.constant 128 : i32
        %mul3A_311 = arith.constant 2 : i32
        %mul3A_312 = arith.muli %mul3A_311, %add3A_273 : i32
        %add3A_313 = arith.constant 1 : i32
        %add3A_314 = arith.addi %mul3A_312, %add3A_313 : i32
        %dma_start3A_315 = arith.constant 0 : i32
        %dma_start3A_316 = arith.constant 0 : i32
        %dma_start3A_317 = arith.constant 0 : i32
        %dma_start3A_318 = tpu.memref_slice %arg11[%dma_start3A_315, %dma_start3A_316, %dma_start3A_317] : memref<4x8x129xf32, #tpu.memory_space<vmem>> -> memref<4x8x128xf32, #tpu.memory_space<vmem>>
        %dma_start3A_319 = arith.constant 0 : i32
        %dma_start3A_320 = arith.constant 0 : i32
        %dma_start3A_321 = arith.constant 0 : i32
        %dma_start3A_322 = tpu.memref_slice %arg4[%add3A_314, %dma_start3A_319, %add3A_28, %dma_start3A_320, %dma_start3A_321] : memref<50x4x128x8x128xf32, #tpu.memory_space<hbm>> -> memref<1x4x1x8x128xf32, #tpu.memory_space<hbm>>
        %dma_start3A_323 = tpu.memref_squeeze %dma_start3A_322 : memref<1x4x1x8x128xf32, #tpu.memory_space<hbm>> -> memref<4x8x128xf32, #tpu.memory_space<hbm>>
        %dma_start3A_324 = arith.constant 0 : i32
        %dma_start3A_325 = arith.constant 0 : i32
        %dma_start3A_326 = arith.constant 0 : i32
        %dma_start3A_327 = tpu.memref_slice %arg4[%add3A_314, %dma_start3A_324, %add3A_28, %dma_start3A_325, %dma_start3A_326] : memref<50x4x128x8x128xf32, #tpu.memory_space<hbm>> -> memref<1x4x1x8x128xf32, #tpu.memory_space<hbm>>
        %dma_start3A_328 = tpu.memref_squeeze %dma_start3A_327 : memref<1x4x1x8x128xf32, #tpu.memory_space<hbm>> -> memref<4x8x128xf32, #tpu.memory_space<hbm>>
        %dma_start3A_329 = arith.constant 0 : i32
        %dma_start3A_330 = arith.constant 0 : i32
        %dma_start3A_331 = arith.constant 0 : i32
        %dma_start3A_332 = tpu.memref_slice %arg11[%dma_start3A_329, %dma_start3A_330, %dma_start3A_331] : memref<4x8x129xf32, #tpu.memory_space<vmem>> -> memref<4x8x128xf32, #tpu.memory_space<vmem>>
        tpu.enqueue_dma source(%dma_start3A_332 : memref<4x8x128xf32, #tpu.memory_space<vmem>>) target(%dma_start3A_328 : memref<4x8x128xf32, #tpu.memory_space<hbm>>) target_semaphore(%arg15 : memref<!tpu.dma_semaphore, #tpu.memory_space<semaphore_mem>>)
      }
      %scan3A_39 = arith.constant 12 : i32
      %dma_start3A_40 = arith.constant 6144 : i32
      %dma_start3A_41 = tpu.memref_slice %arg5[%dma_start3A_40] : memref<6400xi32, #tpu.memory_space<vmem>> -> memref<256xi32, #tpu.memory_space<vmem>>
      %dma_start3A_42 = arith.constant 0 : i32
      %dma_start3A_43 = arith.constant 0 : i32
      %dma_start3A_44 = tpu.memref_slice %arg3[%dma_start3A_42, %dma_start3A_43] : memref<1000000x32xf32, #tpu.memory_space<hbm>> -> memref<1000000x32xf32, #tpu.memory_space<hbm>>
      tpu.enqueue_indirect_dma source(%dma_start3A_44 : memref<1000000x32xf32, #tpu.memory_space<hbm>>) target(%arg6 : memref<256x32xf32, #tpu.memory_space<vmem>>) offsets(%dma_start3A_41 : memref<256xi32, #tpu.memory_space<vmem>>) semaphore(%arg12 : memref<!tpu.dma_semaphore, #tpu.memory_space<semaphore_mem>>)
      %dma_wait3A = arith.constant 0 : i32
      %dma_wait3A_45 = arith.constant 0 : i32
      %dma_wait3A_46 = tpu.memref_slice %arg3[%dma_wait3A, %dma_wait3A_45] : memref<1000000x32xf32, #tpu.memory_space<hbm>> -> memref<256x32xf32, #tpu.memory_space<hbm>>
      %dma_wait3A_47 = arith.constant 0 : i32
      %dma_wait3A_48 = arith.constant 0 : i32
      %dma_wait3A_49 = tpu.memref_slice %arg3[%dma_wait3A_47, %dma_wait3A_48] : memref<1000000x32xf32, #tpu.memory_space<hbm>> -> memref<256x32xf32, #tpu.memory_space<hbm>>
      tpu.wait_dma2 semaphore(%arg12 : memref<!tpu.dma_semaphore, #tpu.memory_space<semaphore_mem>>) src(%dma_wait3A_49 : memref<256x32xf32, #tpu.memory_space<hbm>>) dst(%arg6 : memref<256x32xf32, #tpu.memory_space<vmem>>)
      %not3A = arith.constant false
      %not3A_50 = arith.constant true
      %not3A_51 = arith.xori %not3A, %not3A_50 : i1
      %convert_element_type3A = arith.extui %not3A_51 : i1 to i32
      %cond3A = arith.constant 0 : i32
      %cond3A_52 = arith.cmpi ne, %convert_element_type3A, %cond3A : i32
      scf.if %cond3A_52 {
        %dma_wait3A_181 = arith.constant 0 : i32
        %dma_wait3A_182 = arith.constant 0 : i32
        %dma_wait3A_183 = arith.constant 0 : i32
        %dma_wait3A_184 = arith.constant 0 : i32
        %dma_wait3A_185 = arith.constant 0 : i32
        %dma_wait3A_186 = tpu.memref_slice %arg8[%dma_wait3A_183, %dma_wait3A_184, %dma_wait3A_185] : memref<4x8x129xf32, #tpu.memory_space<vmem>> -> memref<4x8x128xf32, #tpu.memory_space<vmem>>
        %dma_wait3A_187 = arith.constant 0 : i32
        %dma_wait3A_188 = arith.constant 0 : i32
        %dma_wait3A_189 = arith.constant 0 : i32
        %dma_wait3A_190 = tpu.memref_slice %arg4[%dma_wait3A_181, %dma_wait3A_187, %dma_wait3A_182, %dma_wait3A_188, %dma_wait3A_189] : memref<50x4x128x8x128xf32, #tpu.memory_space<hbm>> -> memref<1x4x1x8x128xf32, #tpu.memory_space<hbm>>
        %dma_wait3A_191 = tpu.memref_squeeze %dma_wait3A_190 : memref<1x4x1x8x128xf32, #tpu.memory_space<hbm>> -> memref<4x8x128xf32, #tpu.memory_space<hbm>>
        %dma_wait3A_192 = arith.constant 0 : i32
        %dma_wait3A_193 = arith.constant 0 : i32
        %dma_wait3A_194 = arith.constant 0 : i32
        %dma_wait3A_195 = tpu.memref_slice %arg8[%dma_wait3A_192, %dma_wait3A_193, %dma_wait3A_194] : memref<4x8x129xf32, #tpu.memory_space<vmem>> -> memref<4x8x128xf32, #tpu.memory_space<vmem>>
        %dma_wait3A_196 = arith.constant 0 : i32
        %dma_wait3A_197 = arith.constant 0 : i32
        %dma_wait3A_198 = arith.constant 0 : i32
        %dma_wait3A_199 = tpu.memref_slice %arg4[%dma_wait3A_181, %dma_wait3A_196, %dma_wait3A_182, %dma_wait3A_197, %dma_wait3A_198] : memref<50x4x128x8x128xf32, #tpu.memory_space<hbm>> -> memref<1x4x1x8x128xf32, #tpu.memory_space<hbm>>
        %dma_wait3A_200 = tpu.memref_squeeze %dma_wait3A_199 : memref<1x4x1x8x128xf32, #tpu.memory_space<hbm>> -> memref<4x8x128xf32, #tpu.memory_space<hbm>>
        tpu.wait_dma2 semaphore(%arg14 : memref<!tpu.dma_semaphore, #tpu.memory_space<semaphore_mem>>) src(%dma_wait3A_200 : memref<4x8x128xf32, #tpu.memory_space<hbm>>) dst(%dma_wait3A_195 : memref<4x8x128xf32, #tpu.memory_space<vmem>>)
        %dma_wait3A_201 = arith.constant 0 : i32
        %dma_wait3A_202 = arith.constant 0 : i32
        %dma_wait3A_203 = arith.constant 0 : i32
        %dma_wait3A_204 = arith.constant 0 : i32
        %dma_wait3A_205 = arith.constant 0 : i32
        %dma_wait3A_206 = tpu.memref_slice %arg9[%dma_wait3A_203, %dma_wait3A_204, %dma_wait3A_205] : memref<4x8x129xf32, #tpu.memory_space<vmem>> -> memref<4x8x128xf32, #tpu.memory_space<vmem>>
        %dma_wait3A_207 = arith.constant 0 : i32
        %dma_wait3A_208 = arith.constant 0 : i32
        %dma_wait3A_209 = arith.constant 0 : i32
        %dma_wait3A_210 = tpu.memref_slice %arg4[%dma_wait3A_201, %dma_wait3A_207, %dma_wait3A_202, %dma_wait3A_208, %dma_wait3A_209] : memref<50x4x128x8x128xf32, #tpu.memory_space<hbm>> -> memref<1x4x1x8x128xf32, #tpu.memory_space<hbm>>
        %dma_wait3A_211 = tpu.memref_squeeze %dma_wait3A_210 : memref<1x4x1x8x128xf32, #tpu.memory_space<hbm>> -> memref<4x8x128xf32, #tpu.memory_space<hbm>>
        %dma_wait3A_212 = arith.constant 0 : i32
        %dma_wait3A_213 = arith.constant 0 : i32
        %dma_wait3A_214 = arith.constant 0 : i32
        %dma_wait3A_215 = tpu.memref_slice %arg9[%dma_wait3A_212, %dma_wait3A_213, %dma_wait3A_214] : memref<4x8x129xf32, #tpu.memory_space<vmem>> -> memref<4x8x128xf32, #tpu.memory_space<vmem>>
        %dma_wait3A_216 = arith.constant 0 : i32
        %dma_wait3A_217 = arith.constant 0 : i32
        %dma_wait3A_218 = arith.constant 0 : i32
        %dma_wait3A_219 = tpu.memref_slice %arg4[%dma_wait3A_201, %dma_wait3A_216, %dma_wait3A_202, %dma_wait3A_217, %dma_wait3A_218] : memref<50x4x128x8x128xf32, #tpu.memory_space<hbm>> -> memref<1x4x1x8x128xf32, #tpu.memory_space<hbm>>
        %dma_wait3A_220 = tpu.memref_squeeze %dma_wait3A_219 : memref<1x4x1x8x128xf32, #tpu.memory_space<hbm>> -> memref<4x8x128xf32, #tpu.memory_space<hbm>>
        tpu.wait_dma2 semaphore(%arg14 : memref<!tpu.dma_semaphore, #tpu.memory_space<semaphore_mem>>) src(%dma_wait3A_220 : memref<4x8x128xf32, #tpu.memory_space<hbm>>) dst(%dma_wait3A_215 : memref<4x8x128xf32, #tpu.memory_space<vmem>>)
      } else {
      }
      %scan3A_53 = arith.constant 0 : i32
      %scan3A_54 = arith.constant 128 : i32
      %scan3A_55 = arith.addi %scan3A_53, %scan3A_54 : i32
      %scan3A_56 = arith.constant 4 : i32
      scf.for %scan3A_181 = %scan3A_53 to %scan3A_55 step %scan3A_56  : i32 {
        %mul3A_182 = arith.constant 1 : i32
        %mul3A_183 = arith.muli %scan3A_181, %mul3A_182 : i32
        %add3A_184 = arith.constant 0 : i32
        %add3A_185 = arith.addi %add3A_184, %mul3A_183 : i32
        %broadcast_in_dim3A = vector.broadcast %add3A_185 : i32 to vector<16xi32>
        %add3A_186 = arith.constant 0 : i32
        %add3A_187 = arith.addi %add3A_186, %add3A_185 : i32
        %get3A = arith.index_cast %add3A_187 : i32 to index
        %get3A_188 = arith.constant 0 : index
        %get3A_189 = tpu.vector_load %arg6[%get3A, %get3A_188] {strides = array<i32>} : memref<256x32xf32, #tpu.memory_space<vmem>>, vector<16xf32>,
        tpu.vector_store_idx %arg8[%shift_right_arithmetic3A_2, %and3A_10, %broadcast_in_dim3A], %get3A_189 : memref<4x8x129xf32, #tpu.memory_space<vmem>>[vector<16xi32>, vector<16xi32>, vector<16xi32>], vector<16xf32>,
        %add3A_190 = arith.constant 0 : i32
        %add3A_191 = arith.addi %add3A_190, %add3A_185 : i32
        %get3A_192 = arith.index_cast %add3A_191 : i32 to index
        %get3A_193 = arith.constant 16 : index
        %get3A_194 = tpu.vector_load %arg6[%get3A_192, %get3A_193] {strides = array<i32>} : memref<256x32xf32, #tpu.memory_space<vmem>>, vector<16xf32>,
        tpu.vector_store_idx %arg8[%shift_right_arithmetic3A_8, %and3A_16, %broadcast_in_dim3A], %get3A_194 : memref<4x8x129xf32, #tpu.memory_space<vmem>>[vector<16xi32>, vector<16xi32>, vector<16xi32>], vector<16xf32>,
        %scan3A_195 = arith.constant 1 : i32
        %scan3A_196 = arith.addi %scan3A_181, %scan3A_195 : i32
        %mul3A_197 = arith.constant 1 : i32
        %mul3A_198 = arith.muli %scan3A_196, %mul3A_197 : i32
        %add3A_199 = arith.constant 0 : i32
        %add3A_200 = arith.addi %add3A_199, %mul3A_198 : i32
        %broadcast_in_dim3A_201 = vector.broadcast %add3A_200 : i32 to vector<16xi32>
        %add3A_202 = arith.constant 0 : i32
        %add3A_203 = arith.addi %add3A_202, %add3A_200 : i32
        %get3A_204 = arith.index_cast %add3A_203 : i32 to index
        %get3A_205 = arith.constant 0 : index
        %get3A_206 = tpu.vector_load %arg6[%get3A_204, %get3A_205] {strides = array<i32>} : memref<256x32xf32, #tpu.memory_space<vmem>>, vector<16xf32>,
        tpu.vector_store_idx %arg8[%shift_right_arithmetic3A_2, %and3A_10, %broadcast_in_dim3A_201], %get3A_206 : memref<4x8x129xf32, #tpu.memory_space<vmem>>[vector<16xi32>, vector<16xi32>, vector<16xi32>], vector<16xf32>,
        %add3A_207 = arith.constant 0 : i32
        %add3A_208 = arith.addi %add3A_207, %add3A_200 : i32
        %get3A_209 = arith.index_cast %add3A_208 : i32 to index
        %get3A_210 = arith.constant 16 : index
        %get3A_211 = tpu.vector_load %arg6[%get3A_209, %get3A_210] {strides = array<i32>} : memref<256x32xf32, #tpu.memory_space<vmem>>, vector<16xf32>,
        tpu.vector_store_idx %arg8[%shift_right_arithmetic3A_8, %and3A_16, %broadcast_in_dim3A_201], %get3A_211 : memref<4x8x129xf32, #tpu.memory_space<vmem>>[vector<16xi32>, vector<16xi32>, vector<16xi32>], vector<16xf32>,
        %scan3A_212 = arith.constant 2 : i32
        %scan3A_213 = arith.addi %scan3A_181, %scan3A_212 : i32
        %mul3A_214 = arith.constant 1 : i32
        %mul3A_215 = arith.muli %scan3A_213, %mul3A_214 : i32
        %add3A_216 = arith.constant 0 : i32
        %add3A_217 = arith.addi %add3A_216, %mul3A_215 : i32
        %broadcast_in_dim3A_218 = vector.broadcast %add3A_217 : i32 to vector<16xi32>
        %add3A_219 = arith.constant 0 : i32
        %add3A_220 = arith.addi %add3A_219, %add3A_217 : i32
        %get3A_221 = arith.index_cast %add3A_220 : i32 to index
        %get3A_222 = arith.constant 0 : index
        %get3A_223 = tpu.vector_load %arg6[%get3A_221, %get3A_222] {strides = array<i32>} : memref<256x32xf32, #tpu.memory_space<vmem>>, vector<16xf32>,
        tpu.vector_store_idx %arg8[%shift_right_arithmetic3A_2, %and3A_10, %broadcast_in_dim3A_218], %get3A_223 : memref<4x8x129xf32, #tpu.memory_space<vmem>>[vector<16xi32>, vector<16xi32>, vector<16xi32>], vector<16xf32>,
        %add3A_224 = arith.constant 0 : i32
        %add3A_225 = arith.addi %add3A_224, %add3A_217 : i32
        %get3A_226 = arith.index_cast %add3A_225 : i32 to index
        %get3A_227 = arith.constant 16 : index
        %get3A_228 = tpu.vector_load %arg6[%get3A_226, %get3A_227] {strides = array<i32>} : memref<256x32xf32, #tpu.memory_space<vmem>>, vector<16xf32>,
        tpu.vector_store_idx %arg8[%shift_right_arithmetic3A_8, %and3A_16, %broadcast_in_dim3A_218], %get3A_228 : memref<4x8x129xf32, #tpu.memory_space<vmem>>[vector<16xi32>, vector<16xi32>, vector<16xi32>], vector<16xf32>,
        %scan3A_229 = arith.constant 3 : i32
        %scan3A_230 = arith.addi %scan3A_181, %scan3A_229 : i32
        %mul3A_231 = arith.constant 1 : i32
        %mul3A_232 = arith.muli %scan3A_230, %mul3A_231 : i32
        %add3A_233 = arith.constant 0 : i32
        %add3A_234 = arith.addi %add3A_233, %mul3A_232 : i32
        %broadcast_in_dim3A_235 = vector.broadcast %add3A_234 : i32 to vector<16xi32>
        %add3A_236 = arith.constant 0 : i32
        %add3A_237 = arith.addi %add3A_236, %add3A_234 : i32
        %get3A_238 = arith.index_cast %add3A_237 : i32 to index
        %get3A_239 = arith.constant 0 : index
        %get3A_240 = tpu.vector_load %arg6[%get3A_238, %get3A_239] {strides = array<i32>} : memref<256x32xf32, #tpu.memory_space<vmem>>, vector<16xf32>,
        tpu.vector_store_idx %arg8[%shift_right_arithmetic3A_2, %and3A_10, %broadcast_in_dim3A_235], %get3A_240 : memref<4x8x129xf32, #tpu.memory_space<vmem>>[vector<16xi32>, vector<16xi32>, vector<16xi32>], vector<16xf32>,
        %add3A_241 = arith.constant 0 : i32
        %add3A_242 = arith.addi %add3A_241, %add3A_234 : i32
        %get3A_243 = arith.index_cast %add3A_242 : i32 to index
        %get3A_244 = arith.constant 16 : index
        %get3A_245 = tpu.vector_load %arg6[%get3A_243, %get3A_244] {strides = array<i32>} : memref<256x32xf32, #tpu.memory_space<vmem>>, vector<16xf32>,
        tpu.vector_store_idx %arg8[%shift_right_arithmetic3A_8, %and3A_16, %broadcast_in_dim3A_235], %get3A_245 : memref<4x8x129xf32, #tpu.memory_space<vmem>>[vector<16xi32>, vector<16xi32>, vector<16xi32>], vector<16xf32>,
      }
      %scan3A_57 = arith.constant 128 : i32
      %dma_start3A_58 = arith.constant 48 : i32
      %dma_start3A_59 = arith.constant 0 : i32
      %dma_start3A_60 = arith.constant 0 : i32
      %dma_start3A_61 = arith.constant 0 : i32
      %dma_start3A_62 = tpu.memref_slice %arg8[%dma_start3A_59, %dma_start3A_60, %dma_start3A_61] : memref<4x8x129xf32, #tpu.memory_space<vmem>> -> memref<4x8x128xf32, #tpu.memory_space<vmem>>
      %dma_start3A_63 = arith.constant 0 : i32
      %dma_start3A_64 = arith.constant 0 : i32
      %dma_start3A_65 = arith.constant 0 : i32
      %dma_start3A_66 = tpu.memref_slice %arg4[%dma_start3A_58, %dma_start3A_63, %add3A_28, %dma_start3A_64, %dma_start3A_65] : memref<50x4x128x8x128xf32, #tpu.memory_space<hbm>> -> memref<1x4x1x8x128xf32, #tpu.memory_space<hbm>>
      %dma_start3A_67 = tpu.memref_squeeze %dma_start3A_66 : memref<1x4x1x8x128xf32, #tpu.memory_space<hbm>> -> memref<4x8x128xf32, #tpu.memory_space<hbm>>
      %dma_start3A_68 = arith.constant 0 : i32
      %dma_start3A_69 = arith.constant 0 : i32
      %dma_start3A_70 = arith.constant 0 : i32
      %dma_start3A_71 = tpu.memref_slice %arg4[%dma_start3A_58, %dma_start3A_68, %add3A_28, %dma_start3A_69, %dma_start3A_70] : memref<50x4x128x8x128xf32, #tpu.memory_space<hbm>> -> memref<1x4x1x8x128xf32, #tpu.memory_space<hbm>>
      %dma_start3A_72 = tpu.memref_squeeze %dma_start3A_71 : memref<1x4x1x8x128xf32, #tpu.memory_space<hbm>> -> memref<4x8x128xf32, #tpu.memory_space<hbm>>
      %dma_start3A_73 = arith.constant 0 : i32
      %dma_start3A_74 = arith.constant 0 : i32
      %dma_start3A_75 = arith.constant 0 : i32
      %dma_start3A_76 = tpu.memref_slice %arg8[%dma_start3A_73, %dma_start3A_74, %dma_start3A_75] : memref<4x8x129xf32, #tpu.memory_space<vmem>> -> memref<4x8x128xf32, #tpu.memory_space<vmem>>
      tpu.enqueue_dma source(%dma_start3A_76 : memref<4x8x128xf32, #tpu.memory_space<vmem>>) target(%dma_start3A_72 : memref<4x8x128xf32, #tpu.memory_space<hbm>>) target_semaphore(%arg14 : memref<!tpu.dma_semaphore, #tpu.memory_space<semaphore_mem>>)
      %scan3A_77 = arith.constant 0 : i32
      %scan3A_78 = arith.constant 128 : i32
      %scan3A_79 = arith.addi %scan3A_77, %scan3A_78 : i32
      %scan3A_80 = arith.constant 4 : i32
      scf.for %scan3A_181 = %scan3A_77 to %scan3A_79 step %scan3A_80  : i32 {
        %mul3A_182 = arith.constant 1 : i32
        %mul3A_183 = arith.muli %scan3A_181, %mul3A_182 : i32
        %add3A_184 = arith.constant 0 : i32
        %add3A_185 = arith.addi %add3A_184, %mul3A_183 : i32
        %broadcast_in_dim3A = vector.broadcast %add3A_185 : i32 to vector<16xi32>
        %add3A_186 = arith.constant 128 : i32
        %add3A_187 = arith.addi %add3A_186, %add3A_185 : i32
        %get3A = arith.index_cast %add3A_187 : i32 to index
        %get3A_188 = arith.constant 0 : index
        %get3A_189 = tpu.vector_load %arg6[%get3A, %get3A_188] {strides = array<i32>} : memref<256x32xf32, #tpu.memory_space<vmem>>, vector<16xf32>,
        tpu.vector_store_idx %arg9[%shift_right_arithmetic3A_2, %and3A_10, %broadcast_in_dim3A], %get3A_189 : memref<4x8x129xf32, #tpu.memory_space<vmem>>[vector<16xi32>, vector<16xi32>, vector<16xi32>], vector<16xf32>,
        %add3A_190 = arith.constant 128 : i32
        %add3A_191 = arith.addi %add3A_190, %add3A_185 : i32
        %get3A_192 = arith.index_cast %add3A_191 : i32 to index
        %get3A_193 = arith.constant 16 : index
        %get3A_194 = tpu.vector_load %arg6[%get3A_192, %get3A_193] {strides = array<i32>} : memref<256x32xf32, #tpu.memory_space<vmem>>, vector<16xf32>,
        tpu.vector_store_idx %arg9[%shift_right_arithmetic3A_8, %and3A_16, %broadcast_in_dim3A], %get3A_194 : memref<4x8x129xf32, #tpu.memory_space<vmem>>[vector<16xi32>, vector<16xi32>, vector<16xi32>], vector<16xf32>,
        %scan3A_195 = arith.constant 1 : i32
        %scan3A_196 = arith.addi %scan3A_181, %scan3A_195 : i32
        %mul3A_197 = arith.constant 1 : i32
        %mul3A_198 = arith.muli %scan3A_196, %mul3A_197 : i32
        %add3A_199 = arith.constant 0 : i32
        %add3A_200 = arith.addi %add3A_199, %mul3A_198 : i32
        %broadcast_in_dim3A_201 = vector.broadcast %add3A_200 : i32 to vector<16xi32>
        %add3A_202 = arith.constant 128 : i32
        %add3A_203 = arith.addi %add3A_202, %add3A_200 : i32
        %get3A_204 = arith.index_cast %add3A_203 : i32 to index
        %get3A_205 = arith.constant 0 : index
        %get3A_206 = tpu.vector_load %arg6[%get3A_204, %get3A_205] {strides = array<i32>} : memref<256x32xf32, #tpu.memory_space<vmem>>, vector<16xf32>,
        tpu.vector_store_idx %arg9[%shift_right_arithmetic3A_2, %and3A_10, %broadcast_in_dim3A_201], %get3A_206 : memref<4x8x129xf32, #tpu.memory_space<vmem>>[vector<16xi32>, vector<16xi32>, vector<16xi32>], vector<16xf32>,
        %add3A_207 = arith.constant 128 : i32
        %add3A_208 = arith.addi %add3A_207, %add3A_200 : i32
        %get3A_209 = arith.index_cast %add3A_208 : i32 to index
        %get3A_210 = arith.constant 16 : index
        %get3A_211 = tpu.vector_load %arg6[%get3A_209, %get3A_210] {strides = array<i32>} : memref<256x32xf32, #tpu.memory_space<vmem>>, vector<16xf32>,
        tpu.vector_store_idx %arg9[%shift_right_arithmetic3A_8, %and3A_16, %broadcast_in_dim3A_201], %get3A_211 : memref<4x8x129xf32, #tpu.memory_space<vmem>>[vector<16xi32>, vector<16xi32>, vector<16xi32>], vector<16xf32>,
        %scan3A_212 = arith.constant 2 : i32
        %scan3A_213 = arith.addi %scan3A_181, %scan3A_212 : i32
        %mul3A_214 = arith.constant 1 : i32
        %mul3A_215 = arith.muli %scan3A_213, %mul3A_214 : i32
        %add3A_216 = arith.constant 0 : i32
        %add3A_217 = arith.addi %add3A_216, %mul3A_215 : i32
        %broadcast_in_dim3A_218 = vector.broadcast %add3A_217 : i32 to vector<16xi32>
        %add3A_219 = arith.constant 128 : i32
        %add3A_220 = arith.addi %add3A_219, %add3A_217 : i32
        %get3A_221 = arith.index_cast %add3A_220 : i32 to index
        %get3A_222 = arith.constant 0 : index
        %get3A_223 = tpu.vector_load %arg6[%get3A_221, %get3A_222] {strides = array<i32>} : memref<256x32xf32, #tpu.memory_space<vmem>>, vector<16xf32>,
        tpu.vector_store_idx %arg9[%shift_right_arithmetic3A_2, %and3A_10, %broadcast_in_dim3A_218], %get3A_223 : memref<4x8x129xf32, #tpu.memory_space<vmem>>[vector<16xi32>, vector<16xi32>, vector<16xi32>], vector<16xf32>,
        %add3A_224 = arith.constant 128 : i32
        %add3A_225 = arith.addi %add3A_224, %add3A_217 : i32
        %get3A_226 = arith.index_cast %add3A_225 : i32 to index
        %get3A_227 = arith.constant 16 : index
        %get3A_228 = tpu.vector_load %arg6[%get3A_226, %get3A_227] {strides = array<i32>} : memref<256x32xf32, #tpu.memory_space<vmem>>, vector<16xf32>,
        tpu.vector_store_idx %arg9[%shift_right_arithmetic3A_8, %and3A_16, %broadcast_in_dim3A_218], %get3A_228 : memref<4x8x129xf32, #tpu.memory_space<vmem>>[vector<16xi32>, vector<16xi32>, vector<16xi32>], vector<16xf32>,
        %scan3A_229 = arith.constant 3 : i32
        %scan3A_230 = arith.addi %scan3A_181, %scan3A_229 : i32
        %mul3A_231 = arith.constant 1 : i32
        %mul3A_232 = arith.muli %scan3A_230, %mul3A_231 : i32
        %add3A_233 = arith.constant 0 : i32
        %add3A_234 = arith.addi %add3A_233, %mul3A_232 : i32
        %broadcast_in_dim3A_235 = vector.broadcast %add3A_234 : i32 to vector<16xi32>
        %add3A_236 = arith.constant 128 : i32
        %add3A_237 = arith.addi %add3A_236, %add3A_234 : i32
        %get3A_238 = arith.index_cast %add3A_237 : i32 to index
        %get3A_239 = arith.constant 0 : index
        %get3A_240 = tpu.vector_load %arg6[%get3A_238, %get3A_239] {strides = array<i32>} : memref<256x32xf32, #tpu.memory_space<vmem>>, vector<16xf32>,
        tpu.vector_store_idx %arg9[%shift_right_arithmetic3A_2, %and3A_10, %broadcast_in_dim3A_235], %get3A_240 : memref<4x8x129xf32, #tpu.memory_space<vmem>>[vector<16xi32>, vector<16xi32>, vector<16xi32>], vector<16xf32>,
        %add3A_241 = arith.constant 128 : i32
        %add3A_242 = arith.addi %add3A_241, %add3A_234 : i32
        %get3A_243 = arith.index_cast %add3A_242 : i32 to index
        %get3A_244 = arith.constant 16 : index
        %get3A_245 = tpu.vector_load %arg6[%get3A_243, %get3A_244] {strides = array<i32>} : memref<256x32xf32, #tpu.memory_space<vmem>>, vector<16xf32>,
        tpu.vector_store_idx %arg9[%shift_right_arithmetic3A_8, %and3A_16, %broadcast_in_dim3A_235], %get3A_245 : memref<4x8x129xf32, #tpu.memory_space<vmem>>[vector<16xi32>, vector<16xi32>, vector<16xi32>], vector<16xf32>,
      }
      %scan3A_81 = arith.constant 128 : i32
      %dma_start3A_82 = arith.constant 49 : i32
      %dma_start3A_83 = arith.constant 0 : i32
      %dma_start3A_84 = arith.constant 0 : i32
      %dma_start3A_85 = arith.constant 0 : i32
      %dma_start3A_86 = tpu.memref_slice %arg9[%dma_start3A_83, %dma_start3A_84, %dma_start3A_85] : memref<4x8x129xf32, #tpu.memory_space<vmem>> -> memref<4x8x128xf32, #tpu.memory_space<vmem>>
      %dma_start3A_87 = arith.constant 0 : i32
      %dma_start3A_88 = arith.constant 0 : i32
      %dma_start3A_89 = arith.constant 0 : i32
      %dma_start3A_90 = tpu.memref_slice %arg4[%dma_start3A_82, %dma_start3A_87, %add3A_28, %dma_start3A_88, %dma_start3A_89] : memref<50x4x128x8x128xf32, #tpu.memory_space<hbm>> -> memref<1x4x1x8x128xf32, #tpu.memory_space<hbm>>
      %dma_start3A_91 = tpu.memref_squeeze %dma_start3A_90 : memref<1x4x1x8x128xf32, #tpu.memory_space<hbm>> -> memref<4x8x128xf32, #tpu.memory_space<hbm>>
      %dma_start3A_92 = arith.constant 0 : i32
      %dma_start3A_93 = arith.constant 0 : i32
      %dma_start3A_94 = arith.constant 0 : i32
      %dma_start3A_95 = tpu.memref_slice %arg4[%dma_start3A_82, %dma_start3A_92, %add3A_28, %dma_start3A_93, %dma_start3A_94] : memref<50x4x128x8x128xf32, #tpu.memory_space<hbm>> -> memref<1x4x1x8x128xf32, #tpu.memory_space<hbm>>
      %dma_start3A_96 = tpu.memref_squeeze %dma_start3A_95 : memref<1x4x1x8x128xf32, #tpu.memory_space<hbm>> -> memref<4x8x128xf32, #tpu.memory_space<hbm>>
      %dma_start3A_97 = arith.constant 0 : i32
      %dma_start3A_98 = arith.constant 0 : i32
      %dma_start3A_99 = arith.constant 0 : i32
      %dma_start3A_100 = tpu.memref_slice %arg9[%dma_start3A_97, %dma_start3A_98, %dma_start3A_99] : memref<4x8x129xf32, #tpu.memory_space<vmem>> -> memref<4x8x128xf32, #tpu.memory_space<vmem>>
      tpu.enqueue_dma source(%dma_start3A_100 : memref<4x8x128xf32, #tpu.memory_space<vmem>>) target(%dma_start3A_96 : memref<4x8x128xf32, #tpu.memory_space<hbm>>) target_semaphore(%arg14 : memref<!tpu.dma_semaphore, #tpu.memory_space<semaphore_mem>>)
      %dma_wait3A_101 = arith.constant 0 : i32
      %dma_wait3A_102 = arith.constant 0 : i32
      %dma_wait3A_103 = arith.constant 0 : i32
      %dma_wait3A_104 = arith.constant 0 : i32
      %dma_wait3A_105 = arith.constant 0 : i32
      %dma_wait3A_106 = tpu.memref_slice %arg8[%dma_wait3A_103, %dma_wait3A_104, %dma_wait3A_105] : memref<4x8x129xf32, #tpu.memory_space<vmem>> -> memref<4x8x128xf32, #tpu.memory_space<vmem>>
      %dma_wait3A_107 = arith.constant 0 : i32
      %dma_wait3A_108 = arith.constant 0 : i32
      %dma_wait3A_109 = arith.constant 0 : i32
      %dma_wait3A_110 = tpu.memref_slice %arg4[%dma_wait3A_101, %dma_wait3A_107, %dma_wait3A_102, %dma_wait3A_108, %dma_wait3A_109] : memref<50x4x128x8x128xf32, #tpu.memory_space<hbm>> -> memref<1x4x1x8x128xf32, #tpu.memory_space<hbm>>
      %dma_wait3A_111 = tpu.memref_squeeze %dma_wait3A_110 : memref<1x4x1x8x128xf32, #tpu.memory_space<hbm>> -> memref<4x8x128xf32, #tpu.memory_space<hbm>>
      %dma_wait3A_112 = arith.constant 0 : i32
      %dma_wait3A_113 = arith.constant 0 : i32
      %dma_wait3A_114 = arith.constant 0 : i32
      %dma_wait3A_115 = tpu.memref_slice %arg8[%dma_wait3A_112, %dma_wait3A_113, %dma_wait3A_114] : memref<4x8x129xf32, #tpu.memory_space<vmem>> -> memref<4x8x128xf32, #tpu.memory_space<vmem>>
      %dma_wait3A_116 = arith.constant 0 : i32
      %dma_wait3A_117 = arith.constant 0 : i32
      %dma_wait3A_118 = arith.constant 0 : i32
      %dma_wait3A_119 = tpu.memref_slice %arg4[%dma_wait3A_101, %dma_wait3A_116, %dma_wait3A_102, %dma_wait3A_117, %dma_wait3A_118] : memref<50x4x128x8x128xf32, #tpu.memory_space<hbm>> -> memref<1x4x1x8x128xf32, #tpu.memory_space<hbm>>
      %dma_wait3A_120 = tpu.memref_squeeze %dma_wait3A_119 : memref<1x4x1x8x128xf32, #tpu.memory_space<hbm>> -> memref<4x8x128xf32, #tpu.memory_space<hbm>>
      tpu.wait_dma2 semaphore(%arg14 : memref<!tpu.dma_semaphore, #tpu.memory_space<semaphore_mem>>) src(%dma_wait3A_120 : memref<4x8x128xf32, #tpu.memory_space<hbm>>) dst(%dma_wait3A_115 : memref<4x8x128xf32, #tpu.memory_space<vmem>>)
      %dma_wait3A_121 = arith.constant 0 : i32
      %dma_wait3A_122 = arith.constant 0 : i32
      %dma_wait3A_123 = arith.constant 0 : i32
      %dma_wait3A_124 = arith.constant 0 : i32
      %dma_wait3A_125 = arith.constant 0 : i32
      %dma_wait3A_126 = tpu.memref_slice %arg9[%dma_wait3A_123, %dma_wait3A_124, %dma_wait3A_125] : memref<4x8x129xf32, #tpu.memory_space<vmem>> -> memref<4x8x128xf32, #tpu.memory_space<vmem>>
      %dma_wait3A_127 = arith.constant 0 : i32
      %dma_wait3A_128 = arith.constant 0 : i32
      %dma_wait3A_129 = arith.constant 0 : i32
      %dma_wait3A_130 = tpu.memref_slice %arg4[%dma_wait3A_121, %dma_wait3A_127, %dma_wait3A_122, %dma_wait3A_128, %dma_wait3A_129] : memref<50x4x128x8x128xf32, #tpu.memory_space<hbm>> -> memref<1x4x1x8x128xf32, #tpu.memory_space<hbm>>
      %dma_wait3A_131 = tpu.memref_squeeze %dma_wait3A_130 : memref<1x4x1x8x128xf32, #tpu.memory_space<hbm>> -> memref<4x8x128xf32, #tpu.memory_space<hbm>>
      %dma_wait3A_132 = arith.constant 0 : i32
      %dma_wait3A_133 = arith.constant 0 : i32
      %dma_wait3A_134 = arith.constant 0 : i32
      %dma_wait3A_135 = tpu.memref_slice %arg9[%dma_wait3A_132, %dma_wait3A_133, %dma_wait3A_134] : memref<4x8x129xf32, #tpu.memory_space<vmem>> -> memref<4x8x128xf32, #tpu.memory_space<vmem>>
      %dma_wait3A_136 = arith.constant 0 : i32
      %dma_wait3A_137 = arith.constant 0 : i32
      %dma_wait3A_138 = arith.constant 0 : i32
      %dma_wait3A_139 = tpu.memref_slice %arg4[%dma_wait3A_121, %dma_wait3A_136, %dma_wait3A_122, %dma_wait3A_137, %dma_wait3A_138] : memref<50x4x128x8x128xf32, #tpu.memory_space<hbm>> -> memref<1x4x1x8x128xf32, #tpu.memory_space<hbm>>
      %dma_wait3A_140 = tpu.memref_squeeze %dma_wait3A_139 : memref<1x4x1x8x128xf32, #tpu.memory_space<hbm>> -> memref<4x8x128xf32, #tpu.memory_space<hbm>>
      tpu.wait_dma2 semaphore(%arg14 : memref<!tpu.dma_semaphore, #tpu.memory_space<semaphore_mem>>) src(%dma_wait3A_140 : memref<4x8x128xf32, #tpu.memory_space<hbm>>) dst(%dma_wait3A_135 : memref<4x8x128xf32, #tpu.memory_space<vmem>>)
      %dma_wait3A_141 = arith.constant 0 : i32
      %dma_wait3A_142 = arith.constant 0 : i32
      %dma_wait3A_143 = arith.constant 0 : i32
      %dma_wait3A_144 = arith.constant 0 : i32
      %dma_wait3A_145 = arith.constant 0 : i32
      %dma_wait3A_146 = tpu.memref_slice %arg10[%dma_wait3A_143, %dma_wait3A_144, %dma_wait3A_145] : memref<4x8x129xf32, #tpu.memory_space<vmem>> -> memref<4x8x128xf32, #tpu.memory_space<vmem>>
      %dma_wait3A_147 = arith.constant 0 : i32
      %dma_wait3A_148 = arith.constant 0 : i32
      %dma_wait3A_149 = arith.constant 0 : i32
      %dma_wait3A_150 = tpu.memref_slice %arg4[%dma_wait3A_141, %dma_wait3A_147, %dma_wait3A_142, %dma_wait3A_148, %dma_wait3A_149] : memref<50x4x128x8x128xf32, #tpu.memory_space<hbm>> -> memref<1x4x1x8x128xf32, #tpu.memory_space<hbm>>
      %dma_wait3A_151 = tpu.memref_squeeze %dma_wait3A_150 : memref<1x4x1x8x128xf32, #tpu.memory_space<hbm>> -> memref<4x8x128xf32, #tpu.memory_space<hbm>>
      %dma_wait3A_152 = arith.constant 0 : i32
      %dma_wait3A_153 = arith.constant 0 : i32
      %dma_wait3A_154 = arith.constant 0 : i32
      %dma_wait3A_155 = tpu.memref_slice %arg10[%dma_wait3A_152, %dma_wait3A_153, %dma_wait3A_154] : memref<4x8x129xf32, #tpu.memory_space<vmem>> -> memref<4x8x128xf32, #tpu.memory_space<vmem>>
      %dma_wait3A_156 = arith.constant 0 : i32
      %dma_wait3A_157 = arith.constant 0 : i32
      %dma_wait3A_158 = arith.constant 0 : i32
      %dma_wait3A_159 = tpu.memref_slice %arg4[%dma_wait3A_141, %dma_wait3A_156, %dma_wait3A_142, %dma_wait3A_157, %dma_wait3A_158] : memref<50x4x128x8x128xf32, #tpu.memory_space<hbm>> -> memref<1x4x1x8x128xf32, #tpu.memory_space<hbm>>
      %dma_wait3A_160 = tpu.memref_squeeze %dma_wait3A_159 : memref<1x4x1x8x128xf32, #tpu.memory_space<hbm>> -> memref<4x8x128xf32, #tpu.memory_space<hbm>>
      tpu.wait_dma2 semaphore(%arg15 : memref<!tpu.dma_semaphore, #tpu.memory_space<semaphore_mem>>) src(%dma_wait3A_160 : memref<4x8x128xf32, #tpu.memory_space<hbm>>) dst(%dma_wait3A_155 : memref<4x8x128xf32, #tpu.memory_space<vmem>>)
      %dma_wait3A_161 = arith.constant 0 : i32
      %dma_wait3A_162 = arith.constant 0 : i32
      %dma_wait3A_163 = arith.constant 0 : i32
      %dma_wait3A_164 = arith.constant 0 : i32
      %dma_wait3A_165 = arith.constant 0 : i32
      %dma_wait3A_166 = tpu.memref_slice %arg11[%dma_wait3A_163, %dma_wait3A_164, %dma_wait3A_165] : memref<4x8x129xf32, #tpu.memory_space<vmem>> -> memref<4x8x128xf32, #tpu.memory_space<vmem>>
      %dma_wait3A_167 = arith.constant 0 : i32
      %dma_wait3A_168 = arith.constant 0 : i32
      %dma_wait3A_169 = arith.constant 0 : i32
      %dma_wait3A_170 = tpu.memref_slice %arg4[%dma_wait3A_161, %dma_wait3A_167, %dma_wait3A_162, %dma_wait3A_168, %dma_wait3A_169] : memref<50x4x128x8x128xf32, #tpu.memory_space<hbm>> -> memref<1x4x1x8x128xf32, #tpu.memory_space<hbm>>
      %dma_wait3A_171 = tpu.memref_squeeze %dma_wait3A_170 : memref<1x4x1x8x128xf32, #tpu.memory_space<hbm>> -> memref<4x8x128xf32, #tpu.memory_space<hbm>>
      %dma_wait3A_172 = arith.constant 0 : i32
      %dma_wait3A_173 = arith.constant 0 : i32
      %dma_wait3A_174 = arith.constant 0 : i32
      %dma_wait3A_175 = tpu.memref_slice %arg11[%dma_wait3A_172, %dma_wait3A_173, %dma_wait3A_174] : memref<4x8x129xf32, #tpu.memory_space<vmem>> -> memref<4x8x128xf32, #tpu.memory_space<vmem>>
      %dma_wait3A_176 = arith.constant 0 : i32
      %dma_wait3A_177 = arith.constant 0 : i32
      %dma_wait3A_178 = arith.constant 0 : i32
      %dma_wait3A_179 = tpu.memref_slice %arg4[%dma_wait3A_161, %dma_wait3A_176, %dma_wait3A_162, %dma_wait3A_177, %dma_wait3A_178] : memref<50x4x128x8x128xf32, #tpu.memory_space<hbm>> -> memref<1x4x1x8x128xf32, #tpu.memory_space<hbm>>
      %dma_wait3A_180 = tpu.memref_squeeze %dma_wait3A_179 : memref<1x4x1x8x128xf32, #tpu.memory_space<hbm>> -> memref<4x8x128xf32, #tpu.memory_space<hbm>>
      tpu.wait_dma2 semaphore(%arg15 : memref<!tpu.dma_semaphore, #tpu.memory_space<semaphore_mem>>) src(%dma_wait3A_180 : memref<4x8x128xf32, #tpu.memory_space<hbm>>) dst(%dma_wait3A_175 : memref<4x8x128xf32, #tpu.memory_space<vmem>>)
    }
    %scan3A_20 = arith.constant 4 : i32
    return
  }
}

</mosaic_0001>

<sc_bundles>
// kernel: kernel.3.cloned.1.call-start
scs
__scs_entry_jumppad:
0x0: {  	(pc) =	sbr.rel $0x88, $3  }
0x1: {  	(tag) =	ssettag $0x0;
	lr =	simm.s32 $0x1  }
0x2: {  	[smem:$0x3F9F] =	sst lr;
	_ =	strace $0xD0000000  }
0x3: {  	_ = 	snop  }
0x4: {  	_ = 	snop  }
0x5: {  	_ = 	snop  }
0x6: {  	_ = 	snop  }
0x7: {  	_ = 	snop  }
__scs_overlays_trampoline_lowered:
0x8: {  	[smem:$0x3FAE] =	sst s0  }
0x9: {  	[smem:$0x3FAF] =	sst s1  }
0xa: {  	[smem:$0x3FB0] =	sst s2  }
0xb: {  	[smem:$0x3FB1] =	sst s3  }
0xc: {  	[smem:$0x3FB2] =	sst s4  }
0xd: {  	[smem:$0x3FB3] =	sst s5  }
0xe: {  	[smem:$0x3FB4] =	sst s6  }
0xf: {  	[smem:$0x3FB5] =	sst s7  }
0x10: {  	[smem:$0x3FB6] =	sst s8  }
0x11: {  	[smem:$0x3FB7] =	sst s9;
	s0 =	simm.s32 @!p0 $0x0  }
0x12: {  	s1 =	sld [smem:$0x3F9D];
	s0 =	simm.s32 @p0 $0x1  }
0x13: {  	[smem:$0x3FB8] =	sst s0;
	s0 =	simm.s32 @!p1 $0x0  }
0x14: {  	s2 =	sld [smem:$0x3F9C];
	s0 =	simm.s32 @p1 $0x1  }
0x15: {  	[smem:$0x3FB9] =	sst s0;
	s0 =	simm.s32 @!p2 $0x0  }
0x16: {  	s3 =	sld [smem:$0x3FDB];
	s0 =	simm.s32 @p2 $0x1  }
0x17: {  	s4 =	simm.s32 $0x1BF5;
	[smem:$0x3FBB] =	sst s0  }
0x18: {  	s0 =	sld [smem:$0x3F9E];
	_ =	swait.ge [sflag:s4], $0x0  }
0x19: {  	s7 =	sld [smem:$0x3F9F]  }
0x1a: {  	s8 =	sadd.s32 $0xFFFFE003, lr  }
0x1b: {  	s9 =	sadd.s32 $0xFFFFFEF7, lr;
	s5 =	simm.s32 $0xFFFFFFFF;
	p2 =	slt.u32 s8, $0xFFFFF086  }
0x1c: {  	p1 =	slt.u32 s9, $0xF7A;
	s5 =	simm.s32 @!p2 $0x0  }
0x1d: {  	s5 =	simm.s32 @p1 $0x1;
	p0 =	seq.s32 s7, s2  }
0x1e: {  	s7 =	smul.u32 @!p0 $0xF7A, s2;
	p2 =	seq.s32 @!p0 s5, $0x0  }
0x1f: {  	s9 =	smul.u32 $0xF7A, s1;
	s8 =	simm.s32 @!p0 $0x1BF5;
	p2 =	por !p2, p0  }
0x20: {  	[sflag:s8] =	ssyncset.s32 @!p0 $0xFFFFF086;
	s6 =	sadd.s32 @!p0 s3, s7;
	s7 =	simm.s32 @!p0 $0x108  }
0x21: {  	s3 =	sadd.s32 s3, s9;
	s6 =	sadd.s32 @!p0 $0x88, s6;
	s7 =	simm.s32 @p2 $0x1082  }
0x22: {  	[simem:s7], [sflag:s8] =	dma.local @!p0 [hbm:s6], $0xF7A  }
0x23: {  	s9 =	sor.u32 $0xD0000000, s2;
	s6 =	simm.s32 $0x108;
	_ =	swait.ge @!p0 [sflag:s8], $0x0  }
0x24: {  	s3 =	sadd.s32 $0x88, s3;
	s6 =	simm.s32 @!p1 $0x1082;
	[sflag:s4] =	ssyncset.s32 $0xFFFFF086  }
0x25: {  	[simem:s6], [sflag:s4] =	dma.local [hbm:s3], $0xF7A  }
0x26: {  	[smem:$0x3F9F] =	sst s1;
	(tag) =	ssettag s2;
	_ =	strace s9  }
0x27: {  	s1 =	sld [smem:$0x3FAF]  }
0x28: {  	s2 =	sld [smem:$0x3FB0]  }
0x29: {  	s4 =	sld [smem:$0x3FB2]  }
0x2a: {  	p0 =	seq.s32 s5, $0x0;
	s5 =	sld [smem:$0x3FB3]  }
0x2b: {  	s6 =	sld [smem:$0x3FB4]  }
0x2c: {  	s7 =	sld [smem:$0x3FB5]  }
0x2d: {  	s3 =	simm.s32 $0x108;
	s8 =	sld [smem:$0x3FB6]  }
0x2e: {  	s3 =	simm.s32 @!p0 $0x1082;
	s9 =	sld [smem:$0x3FB7]  }
0x2f: {  	lr =	sadd.s32 s0, s3;
	s0 =	sld [smem:$0x3FAE]  }
0x30: {  	s3 =	sld [smem:$0x3FB1]  }
0x31: {  	[smem:$0x3FBA] =	sst s10  }
0x32: {  	s10 =	sld [smem:$0x3FB8];
	_ =	sdelay $0x3  }
0x33: {  	p0 =	seq.s32 s10, $0x1;
	s10 =	sld [smem:$0x3FBA];
	_ =	sdelay $0x3  }
0x34: {  	[smem:$0x3FBA] =	sst s10  }
0x35: {  	s10 =	sld [smem:$0x3FB9];
	_ =	sdelay $0x3  }
0x36: {  	p1 =	seq.s32 s10, $0x1;
	s10 =	sld [smem:$0x3FBA];
	_ =	sdelay $0x3  }
0x37: {  	[smem:$0x3FBA] =	sst s10  }
0x38: {  	s10 =	sld [smem:$0x3FBB]  }
0x39: {  	_ = 	snop;
	(pc) =	sbr.ind lr, $3  }
0x3a: {  	_ = 	snop  }
0x3b: {  	_ = 	snop  }
0x3c: {  	p2 =	seq.s32 s10, $0x1;
	s10 =	sld [smem:$0x3FBA]  }
0x3d: {  	_ =	shalt  }
0x3e: {  	_ =	shalt  }
0x3f: {  	_ =	shalt  }
0x40: {  	_ =	shalt  }
0x41: {  	_ =	shalt  }
0x42: {  	_ =	shalt  }
0x43: {  	_ =	shalt  }
0x44: {  	_ =	shalt  }
0x45: {  	_ =	shalt  }
0x46: {  	_ =	shalt  }
0x47: {  	_ =	shalt  }
0x48: {  	_ =	shalt  }
0x49: {  	_ =	shalt  }
0x4a: {  	_ =	shalt  }
0x4b: {  	_ =	shalt  }
0x4c: {  	_ =	shalt  }
0x4d: {  	_ =	shalt  }
0x4e: {  	_ =	shalt  }
0x4f: {  	_ =	shalt  }
0x50: {  	_ =	shalt  }
0x51: {  	_ =	shalt  }
0x52: {  	_ =	shalt  }
0x53: {  	_ =	shalt  }
0x54: {  	_ =	shalt  }
0x55: {  	_ =	shalt  }
0x56: {  	_ =	shalt  }
0x57: {  	_ =	shalt  }
0x58: {  	_ =	shalt  }
0x59: {  	_ =	shalt  }
0x5a: {  	_ =	shalt  }
0x5b: {  	_ =	shalt  }
0x5c: {  	_ =	shalt  }
0x5d: {  	_ =	shalt  }
0x5e: {  	_ =	shalt  }
0x5f: {  	_ =	shalt  }
0x60: {  	_ =	shalt  }
0x61: {  	_ =	shalt  }
0x62: {  	_ =	shalt  }
0x63: {  	_ =	shalt  }
0x64: {  	_ =	shalt  }
0x65: {  	_ =	shalt  }
0x66: {  	_ =	shalt  }
0x67: {  	_ =	shalt  }
0x68: {  	_ =	shalt  }
0x69: {  	_ =	shalt  }
0x6a: {  	_ =	shalt  }
0x6b: {  	_ =	shalt  }
0x6c: {  	_ =	shalt  }
0x6d: {  	_ =	shalt  }
0x6e: {  	_ =	shalt  }
0x6f: {  	_ =	shalt  }
0x70: {  	_ =	shalt  }
0x71: {  	_ =	shalt  }
0x72: {  	_ =	shalt  }
0x73: {  	_ =	shalt  }
0x74: {  	_ =	shalt  }
0x75: {  	_ =	shalt  }
0x76: {  	_ =	shalt  }
0x77: {  	_ =	shalt  }
0x78: {  	_ =	shalt  }
0x79: {  	_ =	shalt  }
0x7a: {  	_ =	shalt  }
0x7b: {  	_ =	shalt  }
0x7c: {  	_ =	shalt  }
0x7d: {  	_ =	shalt  }
0x7e: {  	_ =	shalt  }
0x7f: {  	_ =	shalt  }
0x80: {  	_ =	shalt  }
0x81: {  	_ =	shalt  }
0x82: {  	_ =	shalt  }
0x83: {  	_ =	shalt  }
0x84: {  	_ =	shalt  }
0x85: {  	_ =	shalt  }
0x86: {  	_ =	shalt  }
0x87: {  	_ =	shalt  }
.Lfunc_end0:
.L_simem_size_0:
called_computation_lowered:
.L_overlay_start_0:
0x88: {  	s2 =	sld [smem:$0x3FD9]  }
0x89: {  	s3 =	sld [smem:$0x3FFE];
	_ =	sdelay $0x1  }
0x8a: {  	s1 =	srdreg.scid  }
0x8b: {  	s0 =	sand.u32 $0x1, s1  }
0x8c: {  	s17 =	sshll.u32 s0, $0xA;
	s2 =	sadd.s32 s3, s2  }
0x8d: {  	s2 =	sadd.s32 s2, s17  }
0x8e: {  	[smem:$0x3FC6] =	sst s2  }
0x8f: {  	_ = 	snop  }
0x90: {  	s2 =	sld [smem:$0x3FD0];
	(tm) =	ssettm $0x1  }
0x91: {  	s18 =	sld [smem:$0x3FFB];
	_ =	sdelay $0x3  }
0x92: {  	_ =	strace s18  }
0x93: {  	s3 =	sld [smem:$0x3FFC];
	_ =	sdelay $0x3  }
0x94: {  	_ =	strace s3  }
0x95: {  	s3 =	sld [smem:$0x3FFD];
	_ =	sdelay $0x3  }
0x96: {  	_ =	strace s3  }
0x97: {  	_ =	strace $0x8FFFFFFF  }
0x98: {  	s19 =	sld [smem:$0x3FDB];
	_ =	sdelay $0x1  }
0x99: {  	s4 =	simm.s32 $_scs_section_size  }
0x9a: {  	s5 =	simm.s32 $_size__tile_overlayer_lowered;
	s6 =	simm.s32 $_tile_overlayer_lowered  }
0x9b: {  	s22 =	simm.s32 $0x1BFF;
	s21 =	sshll.u32 s6, $0x1;
	s3 =	sadd.s32 s4, s19  }
0x9c: {  	s7 =	simm.s32 $0x0;
	s20 =	sshll.u32 s5, $0x1;
	s5 =	sadd.s32 s21, s3  }
0x9d: {  	[timem:s7], [sflag:s22] =	dma.local [hbm:s5], s20  }
0x9e: {  	_ =	swait.ge [sflag:s22], s20  }
0x9f: {  	s4 =	ssub.s32 $0x0, s20;
	[sflag:s22] =	ssyncset.done $0x0  }
0xa0: {  	[sflag:s22] =	ssyncadd.s32 s4;
	_ =	sdelay $0x1  }
0xa1: {  	s23 =	simm.s32 $0x1B8B  }
0xa2: {  	_ =	swait.ge [sflag:s23], $0x1  }
0xa3: {  	[sflag:s23] =	ssyncset.done $0x0  }
0xa4: {  	s25 =	simm.s32 $0x1B8E;
	s24 =	sld [smem:$0x3FFE];
	[sflag:s23] =	ssyncadd.s32 $0xFFFFFFFF  }
0xa5: {  	s26 =	simm.s32 $execute0_lowered;
	[smem:$0x3FD2] =	sst s25  }
0xa6: {  	s5 =	sshll.u32 s26, $0x1;
	_ =	strace $0x80000046;
	[dreg:$0x1] =	wrdreg $0xFFFFFFFF  }
0xa7: {  	s28 =	simm.s32 $_size_execute0_lowered;
	s3 =	sadd.s32 s3, s5;
	[dreg:$0x0] =	wrdreg $0x0  }
0xa8: {  	s5 =	sshll.u32 s28, $0x1;
	[dreg:$0x2] =	wrdreg s3  }
0xa9: {  	[dreg:$0x3] =	wrdreg s5  }
0xaa: {  	[dreg:$0x4] =	wrdreg $0xC0  }
0xab: {  	_ =	task [dreg:s7], $0x5FFFF  }
0xac: {  	[dreg:$0x1] =	wrdreg $0xFFFFFFFF  }
0xad: {  	[dreg:$0x0] =	wrdreg $0x60  }
0xae: {  	[dreg:$0x2] =	wrdreg s24  }
0xaf: {  	[dreg:$0x3] =	wrdreg s2  }
0xb0: {  	[dreg:$0x4] =	wrdreg $0x9  }
0xb1: {  	_ =	task.clear_ibuf [dreg:s7], $0x5FFFF;
	_ =	strace $0x90000046  }
0xb2: {  	s29 =	simm.s32 $0x9;
	_ =	strace $0x80000048  }
0xb3: {  	_ =	swait.ge [sflag:s29], $0x1  }
0xb4: {  	[sflag:s29] =	ssyncadd.s32 $0xFFFFFFFF  }
0xb5: {  	_ =	strace $0x90000048  }
0xb6: {  	_ =	sfence  }
0xb7: {  	s30 =	sld [smem:$0x0];
	_ =	sdelay $0x2  }
0xb8: {  	s31 =	sshll.u32 s1, $0xD;
	s1 =	sshrl.u32 s1, $0x2  }
0xb9: {  	s3 =	sand.u32 $0x4000, s31;
	s1 =	sadd.s32 s1, s30  }
0xba: {  	s0 =	sor.u32 s3, s0;
	s1 =	sshll.u32 s1, $0x11  }
0xbb: {  	s0 =	sor.u32 s1, s0  }
0xbc: {  	s0 =	sadd.s32 $0x8F2B, s0  }
0xbd: {  	[sflag:s0] =	ssyncadd.remote.s32 $0x1  }
0xbe: {  	_ =	sfence.sel $0xFFFF  }
0xbf: {  	[dreg:$0x0] =	wrdreg $0xFFFFFFFF;
	(pc) =	sbr.abs _section_cstart, $3  }
0xc0: {  	[dreg:$0x1] =	wrdreg $0xFFFFFFFF  }
0xc1: {  	_ =	task.clear_ibuf [dreg:s7], $0x2FFFF;
	_ =	strace $0x9FFFFFFF  }
0xc2: {  	(tm) =	ssettm $0x7FFFFFFF  }
0xc3: {  	_ =	shalt  }
tec
execute0_lowered:
.L_overlay_start_1:
0x0: {  	(tag) =	ssettag $0x1  }
0x1: {  	s0 =	rddreg [dreg:$0x0]  }
0x2: {  	s1 =	rddreg [dreg:$0x1];
	s2 =	simm.s32 $0x0  }
0x3: {  	s3 =	srdreg.scid;
	s5 =	stileid.u32;
	s11 =	simm.s32 $0x100  }
0x4: {  	s14 =	simm.s32 $0x1;
	s15 =	simm.s32 $0x5900;
	s22 =	simm.s32 $0x6A00  }
0x5: {  	s31 =	simm.s32 $0x2;
	s13 =	simm.s32 $0x9728;
	s9 =	simm.s32 $0x9838  }
0x6: {  	s16 =	simm.s32 $0x9948;
	s8 =	simm.s32 $0x9A58;
	s28 =	simm.s32 $0x9AE0  }
0x7: {  	s17 =	simm.s32 $0x9B68;
	s29 =	simm.s32 $0x9BF0;
	s10 =	simm.s32 $0x0  }
0x8: {  	s30 =	simm.s32 $0x0;
	[smem:$0x7FF] =	sst s2;
	s3 =	sand.u32 $0x1, s3  }
0x9: {  	s4 =	sadd.s32 $0x600, s0;
	s7 =	sshll.u32 s5, $0x3;
	s5 =	sadd.s32 $0xF42A00, s0  }
0xa: {  	s25 =	sadd.s32 $0x300000, s1;
	_ =	strace $0x80000047;
	[dreg:$0x3] =	wrdreg s4  }
0xb: {  	s26 =	sadd.s32 $0x310000, s1;
	s23 =	ssub.s32 $0x2, s3;
	[dreg:$0x5] =	wrdreg s25  }
0xc: {  	s3 =	sshll.u32 s3, $0x2;
	[dreg:$0x6] =	wrdreg s26;
	s25 =	simm.s32 $0x98C0  }
0xd: {  	v0 =	vlaneseq.u32;
	s26 =	simm.s32 $0x99D0;
	s6 =	sshrl.u32 s23, $0x1;
	s3 =	sor.u32 s3, s7  }
0xe: {  	v0 =	vmul.u32 $0x88, v0;
	s7 =	simm.s32 $0x8C00;
	s24 =	ssub.s32 s23, s6;
	[dreg:$0x4] =	wrdreg s3  }
0xf: {  	s3 =	simm.s32 $0x7B00;
	s6 =	simm.s32 $0x9C78;
	s0 =	smax.u32 s24, $0x1  }
0x10: {  	v1 =	vadd.s32 $0x880, v0;
	s24 =	simm.s32 $0x97B0;
	[dreg:$0x7] =	wrdreg s0;
	s0 =	simm.s32 $0x4  }
.LBB2_1:
0x11: {  	[dreg:$0x8] =	wrdreg s10;
	s10 =	simm.s32 $0x0  }
.LBB2_2:
0x12: {  	s4 =	rddreg [dreg:$0x4]  }
0x13: {  	s12 =	sadd.s32 s4, s10  }
0x14: {  	s4 =	smul.u32 $0x320, s12  }
0x15: {  	s20 =	rddreg [dreg:$0x3]  }
0x16: {  	[dreg:$0x9] =	wrdreg s10;
	s21 =	simm.s32 $0x5;
	s4 =	sadd.s32 s20, s4  }
0x17: {  	[tilespmem:s30], [sflag:$0x5] =	stream.linear.gather [hbm4b:s4+s30], $0x1900, $0x38;
	[tilespmem:$0x9D00] =	vst v63  }
0x18: {  	_ =	swait.ge [sflag:s21], $0x1900  }
0x19: {  	s23 =	simm.s32 $0x1900;
	s10 =	simm.s32 $0x0;
	[sflag:s21] =	ssyncset.done $0x0  }
0x1a: {  	s18 =	sshll.u32 s12, $0xA;
	[dreg:$0xa] =	wrdreg s12;
	[sflag:s21] =	ssyncadd.s32 $0xFFFFE700  }
0x1b: {  	[tilespmem:s23], [sflag:$0x1] =	stream.indirect.gather [hbm4b:s5+s11], $0x20, s30, s11, $0xb8;
	[tilespmem:$0x9D00] =	vst v63  }
.LBB2_3:
0x1c: {  	s19 =	sshllo.u32 s10, $0x1  }
0x1d: {  	s4 =	sshll.u32 s19, $0x8  }
0x1e: {  	s12 =	simm.s32 $0x3900;
	s4 =	sand.u32 $0x3FFFFF00, s4  }
0x1f: {  	[tilespmem:s12], [sflag:$0x2] =	stream.indirect.gather [hbm4b:s5+s11], $0x20, s4, s11, $0xb8;
	[tilespmem:$0x9D00] =	vst v63  }
0x20: {  	_ =	swait.ge [sflag:s14], $0x2000  }
0x21: {  	p0 =	seq.s32 s10, $0x0;
	[sflag:s14] =	ssyncset.done $0x0  }
0x22: {  	s4 =	simm.s32 @!p0 $0x3;
	[sflag:s14] =	ssyncadd.s32 $0xFFFFE000  }
0x23: {  	_ =	swait.ge @!p0 [sflag:s4], $0x1000  }
0x24: {  	[sflag:s4] =	ssyncset.done @!p0 $0x0  }
0x25: {  	[sflag:s4] =	ssyncadd.s32 @!p0 $0xFFFFF000  }
0x26: {  	_ =	swait.ge @!p0 [sflag:s4], $0x1000  }
0x27: {  	v2 =	vmov s30;
	[sflag:s4] =	ssyncset.done @!p0 $0x0  }
0x28: {  	v2 =	vand.u32 $0x7C, v2;
	[sflag:s4] =	ssyncadd.s32 @!p0 $0xFFFFF000;
	s4 =	simm.s32 $0x1940  }
0x29: {  	v4 =	vadd.s32 v0, v2;
	v3 =	vld [tilespmem:s4+$0xFFFFFFC0];
	_ =	sdelay $0x4  }
0x2a: {  	[tilespmem:v4+s15+$0x0] =	vst.idx.msk $0xffff, v3  }
0x2b: {  	v2 =	vadd.s32 v1, v2;
	v3 =	vld [tilespmem:s4+$0xFFFFFFD0];
	_ =	sdelay $0x2  }
0x2c: {  	s20 =	simm.s32 $0x1  }
0x2d: {  	v4 =	vmov s20  }
0x2e: {  	[tilespmem:v2+s15+$0x0] =	vst.idx.msk $0xffff, v3;
	v2 =	vand.u32 $0x7D, v4  }
0x2f: {  	v3 =	vld [tilespmem:s4+$0xFFFFFFE0];
	v4 =	vadd.s32 v0, v2;
	_ =	sdelay $0x4  }
0x30: {  	[tilespmem:v4+s15+$0x0] =	vst.idx.msk $0xffff, v3  }
0x31: {  	v2 =	vadd.s32 v1, v2;
	v3 =	vld [tilespmem:s4+$0xFFFFFFF0];
	_ =	sdelay $0x2  }
0x32: {  	s21 =	simm.s32 $0x2  }
0x33: {  	v4 =	vmov s21  }
0x34: {  	[tilespmem:v2+s15+$0x0] =	vst.idx.msk $0xffff, v3;
	v2 =	vand.u32 $0x7E, v4  }
0x35: {  	v3 =	vld [tilespmem:s4+$0x0];
	v4 =	vadd.s32 v0, v2;
	_ =	sdelay $0x4  }
0x36: {  	[tilespmem:v4+s15+$0x0] =	vst.idx.msk $0xffff, v3  }
0x37: {  	v2 =	vadd.s32 v1, v2;
	v3 =	vld [tilespmem:s4+$0x10];
	_ =	sdelay $0x2  }
0x38: {  	s23 =	simm.s32 $0x3  }
0x39: {  	v4 =	vmov s23  }
0x3a: {  	[tilespmem:v2+s15+$0x0] =	vst.idx.msk $0xffff, v3;
	v3 =	vand.u32 $0x7F, v4  }
0x3b: {  	v2 =	vld [tilespmem:s4+$0x20];
	v4 =	vadd.s32 v0, v3;
	_ =	sdelay $0x4  }
0x3c: {  	[tilespmem:v4+s15+$0x0] =	vst.idx.msk $0xffff, v2  }
0x3d: {  	v3 =	vadd.s32 v1, v3;
	v2 =	vld [tilespmem:s4+$0x30];
	_ =	sdelay $0x2  }
0x3e: {  	s20 =	simm.s32 $0x4  }
0x3f: {  	s12 =	simm.s32 $0x8;
	v4 =	vmov s20  }
.LBB2_4:
0x40: {  	p1 =	slt.u32 s12, $0x7C;
	v4 =	vand.u32 $0x7C, v4;
	[tilespmem:v3+s15+$0x0] =	vst.idx.msk $0xffff, v2;
	s4 =	sadd.s32 $0x80, s4  }
0x41: {  	v2 =	vld [tilespmem:s4+$0xFFFFFFC0];
	v3 =	vadd.s32 v0, v4;
	_ =	sdelay $0x4  }
0x42: {  	[tilespmem:v3+s15+$0x0] =	vst.idx.msk $0xffff, v2  }
0x43: {  	v3 =	vadd.s32 v1, v4;
	v2 =	vld [tilespmem:s4+$0xFFFFFFD0];
	_ =	sdelay $0x2  }
0x44: {  	s21 =	sadd.s32 $0x1, s20  }
0x45: {  	v4 =	vmov s21  }
0x46: {  	[tilespmem:v3+s15+$0x0] =	vst.idx.msk $0xffff, v2;
	v2 =	vand.u32 $0x7D, v4  }
0x47: {  	v3 =	vld [tilespmem:s4+$0xFFFFFFE0];
	v4 =	vadd.s32 v0, v2;
	_ =	sdelay $0x4  }
0x48: {  	[tilespmem:v4+s15+$0x0] =	vst.idx.msk $0xffff, v3  }
0x49: {  	v2 =	vadd.s32 v1, v2;
	v3 =	vld [tilespmem:s4+$0xFFFFFFF0];
	_ =	sdelay $0x2  }
0x4a: {  	s21 =	sadd.s32 $0x2, s20  }
0x4b: {  	v4 =	vmov s21  }
0x4c: {  	[tilespmem:v2+s15+$0x0] =	vst.idx.msk $0xffff, v3;
	v2 =	vand.u32 $0x7E, v4  }
0x4d: {  	v3 =	vld [tilespmem:s4+$0x0];
	v4 =	vadd.s32 v0, v2;
	_ =	sdelay $0x4  }
0x4e: {  	[tilespmem:v4+s15+$0x0] =	vst.idx.msk $0xffff, v3  }
0x4f: {  	v2 =	vadd.s32 v1, v2;
	v3 =	vld [tilespmem:s4+$0x10];
	_ =	sdelay $0x2  }
0x50: {  	s21 =	sadd.s32 $0x3, s20;
	s20 =	smov.u32 s12  }
0x51: {  	v4 =	vmov s21  }
0x52: {  	[tilespmem:v2+s15+$0x0] =	vst.idx.msk $0xffff, v3;
	v3 =	vand.u32 $0x7F, v4  }
0x53: {  	v2 =	vld [tilespmem:s4+$0x20];
	v4 =	vadd.s32 v0, v3;
	_ =	sdelay $0x4  }
0x54: {  	[tilespmem:v4+s15+$0x0] =	vst.idx.msk $0xffff, v2  }
.Ltmp0:
0x55: {  	v3 =	vadd.s32 v1, v3;
	v2 =	vld [tilespmem:s4+$0x30];
	(pc) =	sbr.rel @p1 .LBB2_4-.Ltmp0, $2  }
0x56: {  	_ =	sdelay $0x2  }
0x57: {  	s12 =	sadd.s32 $0x4, s12;
	v4 =	vmov s20  }
0x58: {  	_ =	sdelay $0x3  }
0x59: {  	v4 =	vand.u32 $0x7C, v4;
	[tilespmem:v3+s15+$0x0] =	vst.idx.msk $0xffff, v2;
	s4 =	sadd.s32 $0x80, s4  }
0x5a: {  	v2 =	vld [tilespmem:s4+$0xFFFFFFC0];
	v3 =	vadd.s32 v0, v4;
	_ =	sdelay $0x4  }
0x5b: {  	[tilespmem:v3+s15+$0x0] =	vst.idx.msk $0xffff, v2  }
0x5c: {  	v3 =	vadd.s32 v1, v4;
	v2 =	vld [tilespmem:s4+$0xFFFFFFD0];
	_ =	sdelay $0x2  }
0x5d: {  	s12 =	sadd.s32 $0x1, s20  }
0x5e: {  	v4 =	vmov s12  }
0x5f: {  	[tilespmem:v3+s15+$0x0] =	vst.idx.msk $0xffff, v2;
	v2 =	vand.u32 $0x7D, v4  }
0x60: {  	v3 =	vld [tilespmem:s4+$0xFFFFFFE0];
	v4 =	vadd.s32 v0, v2;
	_ =	sdelay $0x4  }
0x61: {  	[tilespmem:v4+s15+$0x0] =	vst.idx.msk $0xffff, v3  }
0x62: {  	v2 =	vadd.s32 v1, v2;
	v3 =	vld [tilespmem:s4+$0xFFFFFFF0];
	_ =	sdelay $0x2  }
0x63: {  	s23 =	sadd.s32 $0x2, s20  }
0x64: {  	v4 =	vmov s23  }
0x65: {  	[tilespmem:v2+s15+$0x0] =	vst.idx.msk $0xffff, v3;
	v2 =	vand.u32 $0x7E, v4  }
0x66: {  	v3 =	vld [tilespmem:s4+$0x0];
	v4 =	vadd.s32 v0, v2;
	_ =	sdelay $0x4  }
0x67: {  	[tilespmem:v4+s15+$0x0] =	vst.idx.msk $0xffff, v3  }
0x68: {  	v2 =	vadd.s32 v1, v2;
	v3 =	vld [tilespmem:s4+$0x10];
	_ =	sdelay $0x2  }
0x69: {  	s20 =	sadd.s32 $0x3, s20  }
0x6a: {  	v4 =	vmov s20  }
0x6b: {  	[tilespmem:v2+s15+$0x0] =	vst.idx.msk $0xffff, v3;
	v2 =	vand.u32 $0x7F, v4  }
0x6c: {  	v3 =	vld [tilespmem:s4+$0x20];
	v4 =	vadd.s32 v0, v2;
	_ =	sdelay $0x4  }
0x6d: {  	[tilespmem:v4+s15+$0x0] =	vst.idx.msk $0xffff, v3  }
0x6e: {  	v2 =	vadd.s32 v1, v2;
	v3 =	vld [tilespmem:s4+$0x30];
	_ =	sdelay $0x1  }
0x6f: {  	s21 =	sshll.u32 s10, $0x15  }
0x70: {  	s4 =	sadd.s32 s18, s21  }
0x71: {  	s4 =	sshrl.u32 s4, $0x3  }
0x72: {  	s12 =	simm.s32 $0x0;
	s20 =	sadd.s32 s1, s4;
	[tilespmem:v2+s15+$0x0] =	vst.idx.msk $0xffff, v3  }
0x73: {  	[hbm4b:s20+s12] =	stream.linear.scatter [tilespmem:s15], [sflag:$0x3], $0x80, $0x38;
	[tilespmem:$0x9D00] =	vst v63  }
0x74: {  	s23 =	simm.s32 $0x5988;
	s21 =	sadd.s32 $0x10, s20  }
0x75: {  	[hbm4b:s21+s12] =	stream.linear.scatter [tilespmem:s23], [sflag:$0x3], $0x80, $0x38;
	[tilespmem:$0x9D00] =	vst v63  }
0x76: {  	s21 =	sadd.s32 $0x20, s20;
	s23 =	simm.s32 $0x5A10  }
0x77: {  	[hbm4b:s21+s12] =	stream.linear.scatter [tilespmem:s23], [sflag:$0x3], $0x80, $0x38;
	[tilespmem:$0x9D00] =	vst v63  }
0x78: {  	s21 =	sadd.s32 $0x30, s20;
	s23 =	simm.s32 $0x5A98  }
0x79: {  	[hbm4b:s21+s12] =	stream.linear.scatter [tilespmem:s23], [sflag:$0x3], $0x80, $0x38;
	[tilespmem:$0x9D00] =	vst v63  }
0x7a: {  	s21 =	sadd.s32 $0x40, s20;
	s23 =	simm.s32 $0x5B20  }
0x7b: {  	[hbm4b:s21+s12] =	stream.linear.scatter [tilespmem:s23], [sflag:$0x3], $0x80, $0x38;
	[tilespmem:$0x9D00] =	vst v63  }
0x7c: {  	s21 =	sadd.s32 $0x50, s20;
	s23 =	simm.s32 $0x5BA8  }
0x7d: {  	[hbm4b:s21+s12] =	stream.linear.scatter [tilespmem:s23], [sflag:$0x3], $0x80, $0x38;
	[tilespmem:$0x9D00] =	vst v63  }
0x7e: {  	s21 =	sadd.s32 $0x60, s20;
	s23 =	simm.s32 $0x5C30  }
0x7f: {  	[hbm4b:s21+s12] =	stream.linear.scatter [tilespmem:s23], [sflag:$0x3], $0x80, $0x38;
	[tilespmem:$0x9D00] =	vst v63  }
0x80: {  	s21 =	sadd.s32 $0x70, s20;
	s23 =	simm.s32 $0x5CB8  }
0x81: {  	[hbm4b:s21+s12] =	stream.linear.scatter [tilespmem:s23], [sflag:$0x3], $0x80, $0x38;
	[tilespmem:$0x9D00] =	vst v63  }
0x82: {  	s21 =	sadd.s32 $0x4000, s20;
	s23 =	simm.s32 $0x5D40  }
0x83: {  	[hbm4b:s21+s12] =	stream.linear.scatter [tilespmem:s23], [sflag:$0x3], $0x80, $0x38;
	[tilespmem:$0x9D00] =	vst v63  }
0x84: {  	s21 =	sadd.s32 $0x4010, s20;
	s23 =	simm.s32 $0x5DC8  }
0x85: {  	[hbm4b:s21+s12] =	stream.linear.scatter [tilespmem:s23], [sflag:$0x3], $0x80, $0x38;
	[tilespmem:$0x9D00] =	vst v63  }
0x86: {  	s21 =	sadd.s32 $0x4020, s20;
	s23 =	simm.s32 $0x5E50  }
0x87: {  	[hbm4b:s21+s12] =	stream.linear.scatter [tilespmem:s23], [sflag:$0x3], $0x80, $0x38;
	[tilespmem:$0x9D00] =	vst v63  }
0x88: {  	s21 =	sadd.s32 $0x4030, s20;
	s23 =	simm.s32 $0x5ED8  }
0x89: {  	[hbm4b:s21+s12] =	stream.linear.scatter [tilespmem:s23], [sflag:$0x3], $0x80, $0x38;
	[tilespmem:$0x9D00] =	vst v63  }
0x8a: {  	s21 =	sadd.s32 $0x4040, s20;
	s23 =	simm.s32 $0x5F60  }
0x8b: {  	[hbm4b:s21+s12] =	stream.linear.scatter [tilespmem:s23], [sflag:$0x3], $0x80, $0x38;
	[tilespmem:$0x9D00] =	vst v63  }
0x8c: {  	s21 =	sadd.s32 $0x4050, s20;
	s23 =	simm.s32 $0x5FE8  }
0x8d: {  	[hbm4b:s21+s12] =	stream.linear.scatter [tilespmem:s23], [sflag:$0x3], $0x80, $0x38;
	[tilespmem:$0x9D00] =	vst v63  }
0x8e: {  	s21 =	sadd.s32 $0x4060, s20;
	s23 =	simm.s32 $0x6070  }
0x8f: {  	[hbm4b:s21+s12] =	stream.linear.scatter [tilespmem:s23], [sflag:$0x3], $0x80, $0x38;
	[tilespmem:$0x9D00] =	vst v63  }
0x90: {  	s21 =	sadd.s32 $0x4070, s20;
	s23 =	simm.s32 $0x60F8  }
0x91: {  	[hbm4b:s21+s12] =	stream.linear.scatter [tilespmem:s23], [sflag:$0x3], $0x80, $0x38;
	[tilespmem:$0x9D00] =	vst v63  }
0x92: {  	s21 =	sadd.s32 $0x8000, s20;
	s23 =	simm.s32 $0x6180  }
0x93: {  	[hbm4b:s21+s12] =	stream.linear.scatter [tilespmem:s23], [sflag:$0x3], $0x80, $0x38;
	[tilespmem:$0x9D00] =	vst v63  }
0x94: {  	s21 =	sadd.s32 $0x8010, s20;
	s23 =	simm.s32 $0x6208  }
0x95: {  	[hbm4b:s21+s12] =	stream.linear.scatter [tilespmem:s23], [sflag:$0x3], $0x80, $0x38;
	[tilespmem:$0x9D00] =	vst v63  }
0x96: {  	s21 =	sadd.s32 $0x8020, s20;
	s23 =	simm.s32 $0x6290  }
0x97: {  	[hbm4b:s21+s12] =	stream.linear.scatter [tilespmem:s23], [sflag:$0x3], $0x80, $0x38;
	[tilespmem:$0x9D00] =	vst v63  }
0x98: {  	s21 =	sadd.s32 $0x8030, s20;
	s23 =	simm.s32 $0x6318  }
0x99: {  	[hbm4b:s21+s12] =	stream.linear.scatter [tilespmem:s23], [sflag:$0x3], $0x80, $0x38;
	[tilespmem:$0x9D00] =	vst v63  }
0x9a: {  	s21 =	sadd.s32 $0x8040, s20;
	s23 =	simm.s32 $0x63A0  }
0x9b: {  	[hbm4b:s21+s12] =	stream.linear.scatter [tilespmem:s23], [sflag:$0x3], $0x80, $0x38;
	[tilespmem:$0x9D00] =	vst v63  }
0x9c: {  	s21 =	sadd.s32 $0x8050, s20;
	s23 =	simm.s32 $0x6428  }
0x9d: {  	[hbm4b:s21+s12] =	stream.linear.scatter [tilespmem:s23], [sflag:$0x3], $0x80, $0x38;
	[tilespmem:$0x9D00] =	vst v63  }
0x9e: {  	s21 =	sadd.s32 $0x8060, s20;
	s23 =	simm.s32 $0x64B0  }
0x9f: {  	[hbm4b:s21+s12] =	stream.linear.scatter [tilespmem:s23], [sflag:$0x3], $0x80, $0x38;
	[tilespmem:$0x9D00] =	vst v63  }
0xa0: {  	s21 =	sadd.s32 $0x8070, s20;
	s23 =	simm.s32 $0x6538  }
0xa1: {  	[hbm4b:s21+s12] =	stream.linear.scatter [tilespmem:s23], [sflag:$0x3], $0x80, $0x38;
	[tilespmem:$0x9D00] =	vst v63  }
0xa2: {  	s21 =	sadd.s32 $0xC000, s20;
	s23 =	simm.s32 $0x65C0  }
0xa3: {  	[hbm4b:s21+s12] =	stream.linear.scatter [tilespmem:s23], [sflag:$0x3], $0x80, $0x38;
	[tilespmem:$0x9D00] =	vst v63  }
0xa4: {  	s21 =	sadd.s32 $0xC010, s20;
	s23 =	simm.s32 $0x6648  }
0xa5: {  	[hbm4b:s21+s12] =	stream.linear.scatter [tilespmem:s23], [sflag:$0x3], $0x80, $0x38;
	[tilespmem:$0x9D00] =	vst v63  }
0xa6: {  	s21 =	sadd.s32 $0xC020, s20;
	s23 =	simm.s32 $0x66D0  }
0xa7: {  	[hbm4b:s21+s12] =	stream.linear.scatter [tilespmem:s23], [sflag:$0x3], $0x80, $0x38;
	[tilespmem:$0x9D00] =	vst v63  }
0xa8: {  	s21 =	sadd.s32 $0xC030, s20;
	s23 =	simm.s32 $0x6758  }
0xa9: {  	[hbm4b:s21+s12] =	stream.linear.scatter [tilespmem:s23], [sflag:$0x3], $0x80, $0x38;
	[tilespmem:$0x9D00] =	vst v63  }
0xaa: {  	s21 =	sadd.s32 $0xC040, s20;
	s23 =	simm.s32 $0x67E0  }
0xab: {  	[hbm4b:s21+s12] =	stream.linear.scatter [tilespmem:s23], [sflag:$0x3], $0x80, $0x38;
	[tilespmem:$0x9D00] =	vst v63  }
0xac: {  	s21 =	sadd.s32 $0xC050, s20;
	s23 =	simm.s32 $0x6868  }
0xad: {  	[hbm4b:s21+s12] =	stream.linear.scatter [tilespmem:s23], [sflag:$0x3], $0x80, $0x38;
	[tilespmem:$0x9D00] =	vst v63  }
0xae: {  	s21 =	sadd.s32 $0xC060, s20;
	s23 =	simm.s32 $0x68F0  }
0xaf: {  	[hbm4b:s21+s12] =	stream.linear.scatter [tilespmem:s23], [sflag:$0x3], $0x80, $0x38;
	[tilespmem:$0x9D00] =	vst v63  }
0xb0: {  	s20 =	sadd.s32 $0xC070, s20;
	s23 =	simm.s32 $0x6978  }
0xb1: {  	v2 =	vmov s12;
	[hbm4b:s20+s12] =	stream.linear.scatter [tilespmem:s23], [sflag:$0x3], $0x80, $0x38;
	[tilespmem:$0x9D00] =	vst v63  }
0xb2: {  	v2 =	vand.u32 $0x7C, v2;
	s20 =	simm.s32 $0x2970  }
0xb3: {  	v4 =	vadd.s32 v0, v2;
	v3 =	vld [tilespmem:s20+$0xFFFFFF90];
	_ =	sdelay $0x4  }
0xb4: {  	[tilespmem:v4+s22+$0x0] =	vst.idx.msk $0xffff, v3  }
0xb5: {  	v2 =	vadd.s32 v1, v2;
	v3 =	vld [tilespmem:s20+$0xFFFFFFA0];
	_ =	sdelay $0x2  }
0xb6: {  	s23 =	simm.s32 $0x1  }
0xb7: {  	v4 =	vmov s23  }
0xb8: {  	[tilespmem:v2+s22+$0x0] =	vst.idx.msk $0xffff, v3;
	v2 =	vand.u32 $0x7D, v4  }
0xb9: {  	v3 =	vld [tilespmem:s20+$0xFFFFFFB0];
	v4 =	vadd.s32 v0, v2;
	_ =	sdelay $0x4  }
0xba: {  	[tilespmem:v4+s22+$0x0] =	vst.idx.msk $0xffff, v3  }
0xbb: {  	v2 =	vadd.s32 v1, v2;
	v3 =	vld [tilespmem:s20+$0xFFFFFFC0];
	_ =	sdelay $0x2  }
0xbc: {  	s21 =	simm.s32 $0x2  }
0xbd: {  	v4 =	vmov s21  }
0xbe: {  	[tilespmem:v2+s22+$0x0] =	vst.idx.msk $0xffff, v3;
	v2 =	vand.u32 $0x7E, v4  }
0xbf: {  	v3 =	vld [tilespmem:s20+$0xFFFFFFD0];
	v4 =	vadd.s32 v0, v2;
	_ =	sdelay $0x4  }
0xc0: {  	[tilespmem:v4+s22+$0x0] =	vst.idx.msk $0xffff, v3  }
0xc1: {  	v2 =	vadd.s32 v1, v2;
	v3 =	vld [tilespmem:s20+$0xFFFFFFE0];
	_ =	sdelay $0x2  }
0xc2: {  	s23 =	simm.s32 $0x3  }
0xc3: {  	v4 =	vmov s23  }
0xc4: {  	[tilespmem:v2+s22+$0x0] =	vst.idx.msk $0xffff, v3;
	v3 =	vand.u32 $0x7F, v4  }
0xc5: {  	v2 =	vld [tilespmem:s20+$0xFFFFFFF0];
	v4 =	vadd.s32 v0, v3;
	_ =	sdelay $0x4  }
0xc6: {  	[tilespmem:v4+s22+$0x0] =	vst.idx.msk $0xffff, v2  }
0xc7: {  	v3 =	vadd.s32 v1, v3;
	v2 =	vld [tilespmem:s20+$0x0];
	_ =	sdelay $0x2  }
0xc8: {  	s12 =	simm.s32 $0x4  }
0xc9: {  	s21 =	simm.s32 $0x8;
	v4 =	vmov s12  }
.LBB2_6:
0xca: {  	p1 =	slt.u32 s21, $0x7C;
	v4 =	vand.u32 $0x7C, v4;
	[tilespmem:v3+s22+$0x0] =	vst.idx.msk $0xffff, v2;
	s20 =	sadd.s32 $0x80, s20  }
0xcb: {  	v2 =	vld [tilespmem:s20+$0xFFFFFF90];
	v3 =	vadd.s32 v0, v4;
	_ =	sdelay $0x4  }
0xcc: {  	[tilespmem:v3+s22+$0x0] =	vst.idx.msk $0xffff, v2  }
0xcd: {  	v3 =	vadd.s32 v1, v4;
	v2 =	vld [tilespmem:s20+$0xFFFFFFA0];
	_ =	sdelay $0x2  }
0xce: {  	s23 =	sadd.s32 $0x1, s12  }
0xcf: {  	v4 =	vmov s23  }
0xd0: {  	[tilespmem:v3+s22+$0x0] =	vst.idx.msk $0xffff, v2;
	v2 =	vand.u32 $0x7D, v4  }
0xd1: {  	v3 =	vld [tilespmem:s20+$0xFFFFFFB0];
	v4 =	vadd.s32 v0, v2;
	_ =	sdelay $0x4  }
0xd2: {  	[tilespmem:v4+s22+$0x0] =	vst.idx.msk $0xffff, v3  }
0xd3: {  	v2 =	vadd.s32 v1, v2;
	v3 =	vld [tilespmem:s20+$0xFFFFFFC0];
	_ =	sdelay $0x2  }
0xd4: {  	s23 =	sadd.s32 $0x2, s12  }
0xd5: {  	v4 =	vmov s23  }
0xd6: {  	[tilespmem:v2+s22+$0x0] =	vst.idx.msk $0xffff, v3;
	v2 =	vand.u32 $0x7E, v4  }
0xd7: {  	v3 =	vld [tilespmem:s20+$0xFFFFFFD0];
	v4 =	vadd.s32 v0, v2;
	_ =	sdelay $0x4  }
0xd8: {  	[tilespmem:v4+s22+$0x0] =	vst.idx.msk $0xffff, v3  }
0xd9: {  	v2 =	vadd.s32 v1, v2;
	v3 =	vld [tilespmem:s20+$0xFFFFFFE0];
	_ =	sdelay $0x2  }
0xda: {  	s23 =	sadd.s32 $0x3, s12;
	s12 =	smov.u32 s21  }
0xdb: {  	v4 =	vmov s23  }
0xdc: {  	[tilespmem:v2+s22+$0x0] =	vst.idx.msk $0xffff, v3;
	v3 =	vand.u32 $0x7F, v4  }
0xdd: {  	v2 =	vld [tilespmem:s20+$0xFFFFFFF0];
	v4 =	vadd.s32 v0, v3;
	_ =	sdelay $0x4  }
0xde: {  	[tilespmem:v4+s22+$0x0] =	vst.idx.msk $0xffff, v2  }
.Ltmp1:
0xdf: {  	v3 =	vadd.s32 v1, v3;
	v2 =	vld [tilespmem:s20+$0x0];
	(pc) =	sbr.rel @p1 .LBB2_6-.Ltmp1, $2  }
0xe0: {  	_ =	sdelay $0x2  }
0xe1: {  	s21 =	sadd.s32 $0x4, s21;
	v4 =	vmov s12  }
0xe2: {  	_ =	sdelay $0x3  }
0xe3: {  	v4 =	vand.u32 $0x7C, v4;
	[tilespmem:v3+s22+$0x0] =	vst.idx.msk $0xffff, v2;
	s20 =	sadd.s32 $0x80, s20  }
0xe4: {  	v2 =	vld [tilespmem:s20+$0xFFFFFF90];
	v3 =	vadd.s32 v0, v4;
	_ =	sdelay $0x4  }
0xe5: {  	[tilespmem:v3+s22+$0x0] =	vst.idx.msk $0xffff, v2  }
0xe6: {  	v3 =	vadd.s32 v1, v4;
	v2 =	vld [tilespmem:s20+$0xFFFFFFA0];
	_ =	sdelay $0x2  }
0xe7: {  	s21 =	sadd.s32 $0x1, s12  }
0xe8: {  	v61 =	vmov s21  }
0xe9: {  	[tilespmem:v3+s22+$0x0] =	vst.idx.msk $0xffff, v2;
	v2 =	vand.u32 $0x7D, v61  }
0xea: {  	v3 =	vld [tilespmem:s20+$0xFFFFFFB0];
	v4 =	vadd.s32 v0, v2;
	_ =	sdelay $0x4  }
0xeb: {  	[tilespmem:v4+s22+$0x0] =	vst.idx.msk $0xffff, v3  }
0xec: {  	v2 =	vadd.s32 v1, v2;
	v3 =	vld [tilespmem:s20+$0xFFFFFFC0];
	_ =	sdelay $0x2  }
0xed: {  	s23 =	sadd.s32 $0x2, s12  }
0xee: {  	v62 =	vmov s23  }
0xef: {  	[tilespmem:v2+s22+$0x0] =	vst.idx.msk $0xffff, v3;
	v2 =	vand.u32 $0x7E, v62  }
0xf0: {  	v3 =	vld [tilespmem:s20+$0xFFFFFFD0];
	v4 =	vadd.s32 v0, v2;
	_ =	sdelay $0x4  }
0xf1: {  	[tilespmem:v4+s22+$0x0] =	vst.idx.msk $0xffff, v3  }
0xf2: {  	v2 =	vadd.s32 v1, v2;
	v3 =	vld [tilespmem:s20+$0xFFFFFFE0];
	_ =	sdelay $0x2  }
0xf3: {  	s23 =	sadd.s32 $0x3, s12  }
0xf4: {  	v63 =	vmov s23  }
0xf5: {  	[tilespmem:v2+s22+$0x0] =	vst.idx.msk $0xffff, v3;
	v2 =	vand.u32 $0x7F, v63  }
0xf6: {  	v3 =	vld [tilespmem:s20+$0xFFFFFFF0];
	v4 =	vadd.s32 v0, v2;
	_ =	sdelay $0x4  }
0xf7: {  	[tilespmem:v4+s22+$0x0] =	vst.idx.msk $0xffff, v3  }
0xf8: {  	v2 =	vadd.s32 v1, v2;
	v3 =	vld [tilespmem:s20+$0x0];
	_ =	sdelay $0x3  }
0xf9: {  	s4 =	sor.u32 $0x10000, s4  }
0xfa: {  	s4 =	sadd.s32 s1, s4;
	[tilespmem:v2+s22+$0x0] =	vst.idx.msk $0xffff, v3  }
0xfb: {  	[hbm4b:s4+s2] =	stream.linear.scatter [tilespmem:s22], [sflag:$0x3], $0x80, $0x38;
	[tilespmem:$0x9D00] =	vst v63  }
0xfc: {  	s21 =	sadd.s32 $0x10, s4;
	s23 =	simm.s32 $0x6A88  }
0xfd: {  	[hbm4b:s21+s2] =	stream.linear.scatter [tilespmem:s23], [sflag:$0x3], $0x80, $0x38;
	[tilespmem:$0x9D00] =	vst v63  }
0xfe: {  	s21 =	sadd.s32 $0x20, s4;
	s23 =	simm.s32 $0x6B10  }
0xff: {  	[hbm4b:s21+s2] =	stream.linear.scatter [tilespmem:s23], [sflag:$0x3], $0x80, $0x38;
	[tilespmem:$0x9D00] =	vst v63  }
0x100: {  	s21 =	sadd.s32 $0x30, s4;
	s23 =	simm.s32 $0x6B98  }
0x101: {  	[hbm4b:s21+s2] =	stream.linear.scatter [tilespmem:s23], [sflag:$0x3], $0x80, $0x38;
	[tilespmem:$0x9D00] =	vst v63  }
0x102: {  	s21 =	sadd.s32 $0x40, s4;
	s23 =	simm.s32 $0x6C20  }
0x103: {  	[hbm4b:s21+s2] =	stream.linear.scatter [tilespmem:s23], [sflag:$0x3], $0x80, $0x38;
	[tilespmem:$0x9D00] =	vst v63  }
0x104: {  	s21 =	sadd.s32 $0x50, s4;
	s23 =	simm.s32 $0x6CA8  }
0x105: {  	[hbm4b:s21+s2] =	stream.linear.scatter [tilespmem:s23], [sflag:$0x3], $0x80, $0x38;
	[tilespmem:$0x9D00] =	vst v63  }
0x106: {  	s21 =	sadd.s32 $0x60, s4;
	s23 =	simm.s32 $0x6D30  }
0x107: {  	[hbm4b:s21+s2] =	stream.linear.scatter [tilespmem:s23], [sflag:$0x3], $0x80, $0x38;
	[tilespmem:$0x9D00] =	vst v63  }
0x108: {  	s21 =	sadd.s32 $0x70, s4;
	s23 =	simm.s32 $0x6DB8  }
0x109: {  	[hbm4b:s21+s2] =	stream.linear.scatter [tilespmem:s23], [sflag:$0x3], $0x80, $0x38;
	[tilespmem:$0x9D00] =	vst v63  }
0x10a: {  	s21 =	sadd.s32 $0x4000, s4;
	s23 =	simm.s32 $0x6E40  }
0x10b: {  	[hbm4b:s21+s2] =	stream.linear.scatter [tilespmem:s23], [sflag:$0x3], $0x80, $0x38;
	[tilespmem:$0x9D00] =	vst v63  }
0x10c: {  	s21 =	sadd.s32 $0x4010, s4;
	s23 =	simm.s32 $0x6EC8  }
0x10d: {  	[hbm4b:s21+s2] =	stream.linear.scatter [tilespmem:s23], [sflag:$0x3], $0x80, $0x38;
	[tilespmem:$0x9D00] =	vst v63  }
0x10e: {  	s21 =	sadd.s32 $0x4020, s4;
	s23 =	simm.s32 $0x6F50  }
0x10f: {  	[hbm4b:s21+s2] =	stream.linear.scatter [tilespmem:s23], [sflag:$0x3], $0x80, $0x38;
	[tilespmem:$0x9D00] =	vst v63  }
0x110: {  	s21 =	sadd.s32 $0x4030, s4;
	s23 =	simm.s32 $0x6FD8  }
0x111: {  	[hbm4b:s21+s2] =	stream.linear.scatter [tilespmem:s23], [sflag:$0x3], $0x80, $0x38;
	[tilespmem:$0x9D00] =	vst v63  }
0x112: {  	s21 =	sadd.s32 $0x4040, s4;
	s23 =	simm.s32 $0x7060  }
0x113: {  	[hbm4b:s21+s2] =	stream.linear.scatter [tilespmem:s23], [sflag:$0x3], $0x80, $0x38;
	[tilespmem:$0x9D00] =	vst v63  }
0x114: {  	s21 =	sadd.s32 $0x4050, s4;
	s23 =	simm.s32 $0x70E8  }
0x115: {  	[hbm4b:s21+s2] =	stream.linear.scatter [tilespmem:s23], [sflag:$0x3], $0x80, $0x38;
	[tilespmem:$0x9D00] =	vst v63  }
0x116: {  	s21 =	sadd.s32 $0x4060, s4;
	s23 =	simm.s32 $0x7170  }
0x117: {  	[hbm4b:s21+s2] =	stream.linear.scatter [tilespmem:s23], [sflag:$0x3], $0x80, $0x38;
	[tilespmem:$0x9D00] =	vst v63  }
0x118: {  	s21 =	sadd.s32 $0x4070, s4;
	s23 =	simm.s32 $0x71F8  }
0x119: {  	[hbm4b:s21+s2] =	stream.linear.scatter [tilespmem:s23], [sflag:$0x3], $0x80, $0x38;
	[tilespmem:$0x9D00] =	vst v63  }
0x11a: {  	s21 =	sadd.s32 $0x8000, s4;
	s23 =	simm.s32 $0x7280  }
0x11b: {  	[hbm4b:s21+s2] =	stream.linear.scatter [tilespmem:s23], [sflag:$0x3], $0x80, $0x38;
	[tilespmem:$0x9D00] =	vst v63  }
0x11c: {  	s21 =	sadd.s32 $0x8010, s4;
	s23 =	simm.s32 $0x7308  }
0x11d: {  	[hbm4b:s21+s2] =	stream.linear.scatter [tilespmem:s23], [sflag:$0x3], $0x80, $0x38;
	[tilespmem:$0x9D00] =	vst v63  }
0x11e: {  	s21 =	sadd.s32 $0x8020, s4;
	s23 =	simm.s32 $0x7390  }
0x11f: {  	[hbm4b:s21+s2] =	stream.linear.scatter [tilespmem:s23], [sflag:$0x3], $0x80, $0x38;
	[tilespmem:$0x9D00] =	vst v63  }
0x120: {  	s21 =	sadd.s32 $0x8030, s4;
	s23 =	simm.s32 $0x7418  }
0x121: {  	[hbm4b:s21+s2] =	stream.linear.scatter [tilespmem:s23], [sflag:$0x3], $0x80, $0x38;
	[tilespmem:$0x9D00] =	vst v63  }
0x122: {  	s21 =	sadd.s32 $0x8040, s4;
	s23 =	simm.s32 $0x74A0  }
0x123: {  	[hbm4b:s21+s2] =	stream.linear.scatter [tilespmem:s23], [sflag:$0x3], $0x80, $0x38;
	[tilespmem:$0x9D00] =	vst v63  }
0x124: {  	s21 =	sadd.s32 $0x8050, s4;
	s23 =	simm.s32 $0x7528  }
0x125: {  	[hbm4b:s21+s2] =	stream.linear.scatter [tilespmem:s23], [sflag:$0x3], $0x80, $0x38;
	[tilespmem:$0x9D00] =	vst v63  }
0x126: {  	s21 =	sadd.s32 $0x8060, s4;
	s23 =	simm.s32 $0x75B0  }
0x127: {  	[hbm4b:s21+s2] =	stream.linear.scatter [tilespmem:s23], [sflag:$0x3], $0x80, $0x38;
	[tilespmem:$0x9D00] =	vst v63  }
0x128: {  	s21 =	sadd.s32 $0x8070, s4;
	s23 =	simm.s32 $0x7638  }
0x129: {  	[hbm4b:s21+s2] =	stream.linear.scatter [tilespmem:s23], [sflag:$0x3], $0x80, $0x38;
	[tilespmem:$0x9D00] =	vst v63  }
0x12a: {  	s21 =	sadd.s32 $0xC000, s4;
	s23 =	simm.s32 $0x76C0  }
0x12b: {  	[hbm4b:s21+s2] =	stream.linear.scatter [tilespmem:s23], [sflag:$0x3], $0x80, $0x38;
	[tilespmem:$0x9D00] =	vst v63  }
0x12c: {  	s21 =	sadd.s32 $0xC010, s4;
	s23 =	simm.s32 $0x7748  }
0x12d: {  	[hbm4b:s21+s2] =	stream.linear.scatter [tilespmem:s23], [sflag:$0x3], $0x80, $0x38;
	[tilespmem:$0x9D00] =	vst v63  }
0x12e: {  	s21 =	sadd.s32 $0xC020, s4;
	s23 =	simm.s32 $0x77D0  }
0x12f: {  	[hbm4b:s21+s2] =	stream.linear.scatter [tilespmem:s23], [sflag:$0x3], $0x80, $0x38;
	[tilespmem:$0x9D00] =	vst v63  }
0x130: {  	s21 =	sadd.s32 $0xC030, s4;
	s23 =	simm.s32 $0x7858  }
0x131: {  	[hbm4b:s21+s2] =	stream.linear.scatter [tilespmem:s23], [sflag:$0x3], $0x80, $0x38;
	[tilespmem:$0x9D00] =	vst v63  }
0x132: {  	s21 =	sadd.s32 $0xC040, s4;
	s23 =	simm.s32 $0x78E0  }
0x133: {  	[hbm4b:s21+s2] =	stream.linear.scatter [tilespmem:s23], [sflag:$0x3], $0x80, $0x38;
	[tilespmem:$0x9D00] =	vst v63  }
0x134: {  	p1 =	sne.s32 s10, $0xB;
	s21 =	sadd.s32 $0xC050, s4;
	s23 =	simm.s32 $0x7968  }
0x135: {  	[hbm4b:s21+s2] =	stream.linear.scatter [tilespmem:s23], [sflag:$0x3], $0x80, $0x38;
	[tilespmem:$0x9D00] =	vst v63  }
.Ltmp2:
0x136: {  	_ = 	snop;
	(pc) =	sbr.rel @p1 .LBB2_9-.Ltmp2, $4  }
0x137: {  	s20 =	sadd.s32 $0xC060, s4;
	s21 =	simm.s32 $0x79F0  }
0x138: {  	[hbm4b:s20+s2] =	stream.linear.scatter [tilespmem:s21], [sflag:$0x3], $0x80, $0x38;
	[tilespmem:$0x9D00] =	vst v63  }
0x139: {  	s4 =	sadd.s32 $0xC070, s4;
	s23 =	simm.s32 $0x7A78  }
0x13a: {  	[hbm4b:s4+s2] =	stream.linear.scatter [tilespmem:s23], [sflag:$0x3], $0x80, $0x38;
	[tilespmem:$0x9D00] =	vst v63  }
.Ltmp3:
0x13b: {  	(pc) =	sbr.rel .LBB2_10-.Ltmp3, $4  }
0x13c: {  	_ = 	snop  }
0x13d: {  	_ =	swait.ge [sflag:s31], $0x2000  }
0x13e: {  	[sflag:s31] =	ssyncset.done $0x0  }
0x13f: {  	[sflag:s31] =	ssyncadd.s32 $0xFFFFE000  }
.LBB2_9:
0x140: {  	s4 =	sshll.u32 s10, $0x9  }
0x141: {  	s4 =	sand.u32 $0x3FFFFE00, s4  }
.Ltmp4:
0x142: {  	s12 =	simm.s32 $0x1900;
	s4 =	sadd.s32 $0x200, s4;
	(pc) =	sbr.rel @p0 .LBB2_11-.Ltmp4, $4  }
0x143: {  	[tilespmem:s12], [sflag:$0x1] =	stream.indirect.gather [hbm4b:s5+s11], $0x20, s4, s11, $0xb8;
	[tilespmem:$0x9D00] =	vst v63  }
0x144: {  	_ =	swait.ge [sflag:s31], $0x2000  }
0x145: {  	[sflag:s31] =	ssyncset.done $0x0  }
0x146: {  	[sflag:s31] =	ssyncadd.s32 $0xFFFFE000  }
.LBB2_10:
0x147: {  	_ =	swait.ge [sflag:s0], $0x1000  }
0x148: {  	[sflag:s0] =	ssyncset.done $0x0  }
0x149: {  	[sflag:s0] =	ssyncadd.s32 $0xFFFFF000  }
0x14a: {  	_ =	swait.ge [sflag:s0], $0x1000  }
0x14b: {  	[sflag:s0] =	ssyncset.done $0x0  }
0x14c: {  	[sflag:s0] =	ssyncadd.s32 $0xFFFFF000  }
.LBB2_11:
0x14d: {  	s4 =	simm.s32 $0x0  }
0x14e: {  	v2 =	vmov s4  }
0x14f: {  	s4 =	simm.s32 $0x3940;
	v2 =	vand.u32 $0x7C, v2  }
0x150: {  	v3 =	vld [tilespmem:s4+$0xFFFFFFC0];
	v4 =	vadd.s32 v0, v2;
	_ =	sdelay $0x4  }
0x151: {  	[tilespmem:v4+s3+$0x0] =	vst.idx.msk $0xffff, v3  }
0x152: {  	v2 =	vadd.s32 v1, v2;
	v3 =	vld [tilespmem:s4+$0xFFFFFFD0];
	_ =	sdelay $0x2  }
0x153: {  	s12 =	simm.s32 $0x1  }
0x154: {  	v4 =	vmov s12  }
0x155: {  	[tilespmem:v2+s3+$0x0] =	vst.idx.msk $0xffff, v3;
	v2 =	vand.u32 $0x7D, v4  }
0x156: {  	v3 =	vld [tilespmem:s4+$0xFFFFFFE0];
	v4 =	vadd.s32 v0, v2;
	_ =	sdelay $0x4  }
0x157: {  	[tilespmem:v4+s3+$0x0] =	vst.idx.msk $0xffff, v3  }
0x158: {  	v2 =	vadd.s32 v1, v2;
	v3 =	vld [tilespmem:s4+$0xFFFFFFF0];
	_ =	sdelay $0x2  }
0x159: {  	s21 =	simm.s32 $0x2  }
0x15a: {  	v4 =	vmov s21  }
0x15b: {  	[tilespmem:v2+s3+$0x0] =	vst.idx.msk $0xffff, v3;
	v2 =	vand.u32 $0x7E, v4  }
0x15c: {  	v3 =	vld [tilespmem:s4+$0x0];
	v4 =	vadd.s32 v0, v2;
	_ =	sdelay $0x4  }
0x15d: {  	[tilespmem:v4+s3+$0x0] =	vst.idx.msk $0xffff, v3  }
0x15e: {  	v2 =	vadd.s32 v1, v2;
	v3 =	vld [tilespmem:s4+$0x10];
	_ =	sdelay $0x2  }
0x15f: {  	s23 =	simm.s32 $0x3  }
0x160: {  	v4 =	vmov s23  }
0x161: {  	[tilespmem:v2+s3+$0x0] =	vst.idx.msk $0xffff, v3;
	v3 =	vand.u32 $0x7F, v4  }
0x162: {  	v2 =	vld [tilespmem:s4+$0x20];
	v4 =	vadd.s32 v0, v3;
	_ =	sdelay $0x4  }
0x163: {  	[tilespmem:v4+s3+$0x0] =	vst.idx.msk $0xffff, v2  }
0x164: {  	v3 =	vadd.s32 v1, v3;
	v2 =	vld [tilespmem:s4+$0x30];
	_ =	sdelay $0x2  }
0x165: {  	s12 =	simm.s32 $0x4  }
0x166: {  	s20 =	simm.s32 $0x8;
	v4 =	vmov s12  }
.LBB2_12:
0x167: {  	p0 =	slt.u32 s20, $0x7C;
	v4 =	vand.u32 $0x7C, v4;
	[tilespmem:v3+s3+$0x0] =	vst.idx.msk $0xffff, v2;
	s4 =	sadd.s32 $0x80, s4  }
0x168: {  	v2 =	vld [tilespmem:s4+$0xFFFFFFC0];
	v3 =	vadd.s32 v0, v4;
	_ =	sdelay $0x4  }
0x169: {  	[tilespmem:v3+s3+$0x0] =	vst.idx.msk $0xffff, v2  }
0x16a: {  	v3 =	vadd.s32 v1, v4;
	v2 =	vld [tilespmem:s4+$0xFFFFFFD0];
	_ =	sdelay $0x2  }
0x16b: {  	s21 =	sadd.s32 $0x1, s12  }
0x16c: {  	v4 =	vmov s21  }
0x16d: {  	[tilespmem:v3+s3+$0x0] =	vst.idx.msk $0xffff, v2;
	v2 =	vand.u32 $0x7D, v4  }
0x16e: {  	v3 =	vld [tilespmem:s4+$0xFFFFFFE0];
	v4 =	vadd.s32 v0, v2;
	_ =	sdelay $0x4  }
0x16f: {  	[tilespmem:v4+s3+$0x0] =	vst.idx.msk $0xffff, v3  }
0x170: {  	v2 =	vadd.s32 v1, v2;
	v3 =	vld [tilespmem:s4+$0xFFFFFFF0];
	_ =	sdelay $0x2  }
0x171: {  	s21 =	sadd.s32 $0x2, s12  }
0x172: {  	v4 =	vmov s21  }
0x173: {  	[tilespmem:v2+s3+$0x0] =	vst.idx.msk $0xffff, v3;
	v2 =	vand.u32 $0x7E, v4  }
0x174: {  	v3 =	vld [tilespmem:s4+$0x0];
	v4 =	vadd.s32 v0, v2;
	_ =	sdelay $0x4  }
0x175: {  	[tilespmem:v4+s3+$0x0] =	vst.idx.msk $0xffff, v3  }
0x176: {  	v2 =	vadd.s32 v1, v2;
	v3 =	vld [tilespmem:s4+$0x10];
	_ =	sdelay $0x2  }
0x177: {  	s21 =	sadd.s32 $0x3, s12;
	s12 =	smov.u32 s20  }
0x178: {  	v4 =	vmov s21  }
0x179: {  	[tilespmem:v2+s3+$0x0] =	vst.idx.msk $0xffff, v3;
	v3 =	vand.u32 $0x7F, v4  }
0x17a: {  	v2 =	vld [tilespmem:s4+$0x20];
	v4 =	vadd.s32 v0, v3;
	_ =	sdelay $0x4  }
0x17b: {  	[tilespmem:v4+s3+$0x0] =	vst.idx.msk $0xffff, v2  }
.Ltmp5:
0x17c: {  	v3 =	vadd.s32 v1, v3;
	v2 =	vld [tilespmem:s4+$0x30];
	(pc) =	sbr.rel @p0 .LBB2_12-.Ltmp5, $2  }
0x17d: {  	_ =	sdelay $0x2  }
0x17e: {  	s20 =	sadd.s32 $0x4, s20;
	v4 =	vmov s12  }
0x17f: {  	_ =	sdelay $0x3  }
0x180: {  	v4 =	vand.u32 $0x7C, v4;
	[tilespmem:v3+s3+$0x0] =	vst.idx.msk $0xffff, v2;
	s4 =	sadd.s32 $0x80, s4  }
0x181: {  	v2 =	vld [tilespmem:s4+$0xFFFFFFC0];
	v3 =	vadd.s32 v0, v4;
	_ =	sdelay $0x4  }
0x182: {  	[tilespmem:v3+s3+$0x0] =	vst.idx.msk $0xffff, v2  }
0x183: {  	v3 =	vadd.s32 v1, v4;
	v2 =	vld [tilespmem:s4+$0xFFFFFFD0];
	_ =	sdelay $0x2  }
0x184: {  	s20 =	sadd.s32 $0x1, s12  }
0x185: {  	v4 =	vmov s20  }
0x186: {  	[tilespmem:v3+s3+$0x0] =	vst.idx.msk $0xffff, v2;
	v2 =	vand.u32 $0x7D, v4  }
0x187: {  	v3 =	vld [tilespmem:s4+$0xFFFFFFE0];
	v4 =	vadd.s32 v0, v2;
	_ =	sdelay $0x4  }
0x188: {  	[tilespmem:v4+s3+$0x0] =	vst.idx.msk $0xffff, v3  }
0x189: {  	v2 =	vadd.s32 v1, v2;
	v3 =	vld [tilespmem:s4+$0xFFFFFFF0];
	_ =	sdelay $0x2  }
0x18a: {  	s23 =	sadd.s32 $0x2, s12  }
0x18b: {  	v4 =	vmov s23  }
0x18c: {  	[tilespmem:v2+s3+$0x0] =	vst.idx.msk $0xffff, v3;
	v2 =	vand.u32 $0x7E, v4  }
0x18d: {  	v3 =	vld [tilespmem:s4+$0x0];
	v4 =	vadd.s32 v0, v2;
	_ =	sdelay $0x4  }
0x18e: {  	[tilespmem:v4+s3+$0x0] =	vst.idx.msk $0xffff, v3  }
0x18f: {  	v2 =	vadd.s32 v1, v2;
	v3 =	vld [tilespmem:s4+$0x10];
	_ =	sdelay $0x2  }
0x190: {  	s20 =	sadd.s32 $0x3, s12  }
0x191: {  	v4 =	vmov s20  }
0x192: {  	[tilespmem:v2+s3+$0x0] =	vst.idx.msk $0xffff, v3;
	v2 =	vand.u32 $0x7F, v4  }
0x193: {  	v3 =	vld [tilespmem:s4+$0x20];
	v4 =	vadd.s32 v0, v2;
	_ =	sdelay $0x4  }
0x194: {  	[tilespmem:v4+s3+$0x0] =	vst.idx.msk $0xffff, v3  }
0x195: {  	v2 =	vadd.s32 v1, v2;
	v3 =	vld [tilespmem:s4+$0x30];
	_ =	sdelay $0x1  }
0x196: {  	s21 =	sshll.u32 s19, $0x14  }
0x197: {  	s4 =	sadd.s32 s18, s21  }
0x198: {  	s4 =	sshrl.u32 s4, $0x3  }
0x199: {  	s12 =	simm.s32 $0x0;
	s19 =	sadd.s32 s1, s4;
	[tilespmem:v2+s3+$0x0] =	vst.idx.msk $0xffff, v3  }
0x19a: {  	[hbm4b:s19+s12] =	stream.linear.scatter [tilespmem:s3], [sflag:$0x4], $0x80, $0x38;
	[tilespmem:$0x9D00] =	vst v63  }
0x19b: {  	s21 =	simm.s32 $0x7B88;
	s23 =	sadd.s32 $0x10, s19  }
0x19c: {  	[hbm4b:s23+s12] =	stream.linear.scatter [tilespmem:s21], [sflag:$0x4], $0x80, $0x38;
	[tilespmem:$0x9D00] =	vst v63  }
0x19d: {  	s21 =	sadd.s32 $0x20, s19;
	s23 =	simm.s32 $0x7C10  }
0x19e: {  	[hbm4b:s21+s12] =	stream.linear.scatter [tilespmem:s23], [sflag:$0x4], $0x80, $0x38;
	[tilespmem:$0x9D00] =	vst v63  }
0x19f: {  	s21 =	sadd.s32 $0x30, s19;
	s23 =	simm.s32 $0x7C98  }
0x1a0: {  	[hbm4b:s21+s12] =	stream.linear.scatter [tilespmem:s23], [sflag:$0x4], $0x80, $0x38;
	[tilespmem:$0x9D00] =	vst v63  }
0x1a1: {  	s21 =	sadd.s32 $0x40, s19;
	s23 =	simm.s32 $0x7D20  }
0x1a2: {  	[hbm4b:s21+s12] =	stream.linear.scatter [tilespmem:s23], [sflag:$0x4], $0x80, $0x38;
	[tilespmem:$0x9D00] =	vst v63  }
0x1a3: {  	s21 =	sadd.s32 $0x50, s19;
	s23 =	simm.s32 $0x7DA8  }
0x1a4: {  	[hbm4b:s21+s12] =	stream.linear.scatter [tilespmem:s23], [sflag:$0x4], $0x80, $0x38;
	[tilespmem:$0x9D00] =	vst v63  }
0x1a5: {  	s21 =	sadd.s32 $0x60, s19;
	s23 =	simm.s32 $0x7E30  }
0x1a6: {  	[hbm4b:s21+s12] =	stream.linear.scatter [tilespmem:s23], [sflag:$0x4], $0x80, $0x38;
	[tilespmem:$0x9D00] =	vst v63  }
0x1a7: {  	s21 =	sadd.s32 $0x70, s19;
	s23 =	simm.s32 $0x7EB8  }
0x1a8: {  	[hbm4b:s21+s12] =	stream.linear.scatter [tilespmem:s23], [sflag:$0x4], $0x80, $0x38;
	[tilespmem:$0x9D00] =	vst v63  }
0x1a9: {  	s21 =	sadd.s32 $0x4000, s19;
	s23 =	simm.s32 $0x7F40  }
0x1aa: {  	[hbm4b:s21+s12] =	stream.linear.scatter [tilespmem:s23], [sflag:$0x4], $0x80, $0x38;
	[tilespmem:$0x9D00] =	vst v63  }
0x1ab: {  	s21 =	sadd.s32 $0x4010, s19;
	s23 =	simm.s32 $0x7FC8  }
0x1ac: {  	[hbm4b:s21+s12] =	stream.linear.scatter [tilespmem:s23], [sflag:$0x4], $0x80, $0x38;
	[tilespmem:$0x9D00] =	vst v63  }
0x1ad: {  	s21 =	sadd.s32 $0x4020, s19;
	s23 =	simm.s32 $0x8050  }
0x1ae: {  	[hbm4b:s21+s12] =	stream.linear.scatter [tilespmem:s23], [sflag:$0x4], $0x80, $0x38;
	[tilespmem:$0x9D00] =	vst v63  }
0x1af: {  	s21 =	sadd.s32 $0x4030, s19;
	s23 =	simm.s32 $0x80D8  }
0x1b0: {  	[hbm4b:s21+s12] =	stream.linear.scatter [tilespmem:s23], [sflag:$0x4], $0x80, $0x38;
	[tilespmem:$0x9D00] =	vst v63  }
0x1b1: {  	s21 =	sadd.s32 $0x4040, s19;
	s23 =	simm.s32 $0x8160  }
0x1b2: {  	[hbm4b:s21+s12] =	stream.linear.scatter [tilespmem:s23], [sflag:$0x4], $0x80, $0x38;
	[tilespmem:$0x9D00] =	vst v63  }
0x1b3: {  	s21 =	sadd.s32 $0x4050, s19;
	s23 =	simm.s32 $0x81E8  }
0x1b4: {  	[hbm4b:s21+s12] =	stream.linear.scatter [tilespmem:s23], [sflag:$0x4], $0x80, $0x38;
	[tilespmem:$0x9D00] =	vst v63  }
0x1b5: {  	s21 =	sadd.s32 $0x4060, s19;
	s23 =	simm.s32 $0x8270  }
0x1b6: {  	[hbm4b:s21+s12] =	stream.linear.scatter [tilespmem:s23], [sflag:$0x4], $0x80, $0x38;
	[tilespmem:$0x9D00] =	vst v63  }
0x1b7: {  	s21 =	sadd.s32 $0x4070, s19;
	s23 =	simm.s32 $0x82F8  }
0x1b8: {  	[hbm4b:s21+s12] =	stream.linear.scatter [tilespmem:s23], [sflag:$0x4], $0x80, $0x38;
	[tilespmem:$0x9D00] =	vst v63  }
0x1b9: {  	s21 =	sadd.s32 $0x8000, s19;
	s23 =	simm.s32 $0x8380  }
0x1ba: {  	[hbm4b:s21+s12] =	stream.linear.scatter [tilespmem:s23], [sflag:$0x4], $0x80, $0x38;
	[tilespmem:$0x9D00] =	vst v63  }
0x1bb: {  	s21 =	sadd.s32 $0x8010, s19;
	s23 =	simm.s32 $0x8408  }
0x1bc: {  	[hbm4b:s21+s12] =	stream.linear.scatter [tilespmem:s23], [sflag:$0x4], $0x80, $0x38;
	[tilespmem:$0x9D00] =	vst v63  }
0x1bd: {  	s21 =	sadd.s32 $0x8020, s19;
	s23 =	simm.s32 $0x8490  }
0x1be: {  	[hbm4b:s21+s12] =	stream.linear.scatter [tilespmem:s23], [sflag:$0x4], $0x80, $0x38;
	[tilespmem:$0x9D00] =	vst v63  }
0x1bf: {  	s21 =	sadd.s32 $0x8030, s19;
	s23 =	simm.s32 $0x8518  }
0x1c0: {  	[hbm4b:s21+s12] =	stream.linear.scatter [tilespmem:s23], [sflag:$0x4], $0x80, $0x38;
	[tilespmem:$0x9D00] =	vst v63  }
0x1c1: {  	s21 =	sadd.s32 $0x8040, s19;
	s23 =	simm.s32 $0x85A0  }
0x1c2: {  	[hbm4b:s21+s12] =	stream.linear.scatter [tilespmem:s23], [sflag:$0x4], $0x80, $0x38;
	[tilespmem:$0x9D00] =	vst v63  }
0x1c3: {  	s21 =	sadd.s32 $0x8050, s19;
	s23 =	simm.s32 $0x8628  }
0x1c4: {  	[hbm4b:s21+s12] =	stream.linear.scatter [tilespmem:s23], [sflag:$0x4], $0x80, $0x38;
	[tilespmem:$0x9D00] =	vst v63  }
0x1c5: {  	s21 =	sadd.s32 $0x8060, s19;
	s23 =	simm.s32 $0x86B0  }
0x1c6: {  	[hbm4b:s21+s12] =	stream.linear.scatter [tilespmem:s23], [sflag:$0x4], $0x80, $0x38;
	[tilespmem:$0x9D00] =	vst v63  }
0x1c7: {  	s21 =	sadd.s32 $0x8070, s19;
	s23 =	simm.s32 $0x8738  }
0x1c8: {  	[hbm4b:s21+s12] =	stream.linear.scatter [tilespmem:s23], [sflag:$0x4], $0x80, $0x38;
	[tilespmem:$0x9D00] =	vst v63  }
0x1c9: {  	s21 =	sadd.s32 $0xC000, s19;
	s23 =	simm.s32 $0x87C0  }
0x1ca: {  	[hbm4b:s21+s12] =	stream.linear.scatter [tilespmem:s23], [sflag:$0x4], $0x80, $0x38;
	[tilespmem:$0x9D00] =	vst v63  }
0x1cb: {  	s21 =	sadd.s32 $0xC010, s19;
	s23 =	simm.s32 $0x8848  }
0x1cc: {  	[hbm4b:s21+s12] =	stream.linear.scatter [tilespmem:s23], [sflag:$0x4], $0x80, $0x38;
	[tilespmem:$0x9D00] =	vst v63  }
0x1cd: {  	s21 =	sadd.s32 $0xC020, s19;
	s23 =	simm.s32 $0x88D0  }
0x1ce: {  	[hbm4b:s21+s12] =	stream.linear.scatter [tilespmem:s23], [sflag:$0x4], $0x80, $0x38;
	[tilespmem:$0x9D00] =	vst v63  }
0x1cf: {  	s21 =	sadd.s32 $0xC030, s19;
	s23 =	simm.s32 $0x8958  }
0x1d0: {  	[hbm4b:s21+s12] =	stream.linear.scatter [tilespmem:s23], [sflag:$0x4], $0x80, $0x38;
	[tilespmem:$0x9D00] =	vst v63  }
0x1d1: {  	s21 =	sadd.s32 $0xC040, s19;
	s23 =	simm.s32 $0x89E0  }
0x1d2: {  	[hbm4b:s21+s12] =	stream.linear.scatter [tilespmem:s23], [sflag:$0x4], $0x80, $0x38;
	[tilespmem:$0x9D00] =	vst v63  }
0x1d3: {  	s21 =	sadd.s32 $0xC050, s19;
	s23 =	simm.s32 $0x8A68  }
0x1d4: {  	[hbm4b:s21+s12] =	stream.linear.scatter [tilespmem:s23], [sflag:$0x4], $0x80, $0x38;
	[tilespmem:$0x9D00] =	vst v63  }
0x1d5: {  	s21 =	sadd.s32 $0xC060, s19;
	s23 =	simm.s32 $0x8AF0  }
0x1d6: {  	[hbm4b:s21+s12] =	stream.linear.scatter [tilespmem:s23], [sflag:$0x4], $0x80, $0x38;
	[tilespmem:$0x9D00] =	vst v63  }
0x1d7: {  	s19 =	sadd.s32 $0xC070, s19;
	s23 =	simm.s32 $0x8B78  }
0x1d8: {  	v2 =	vmov s12;
	[hbm4b:s19+s12] =	stream.linear.scatter [tilespmem:s23], [sflag:$0x4], $0x80, $0x38;
	[tilespmem:$0x9D00] =	vst v63  }
0x1d9: {  	v2 =	vand.u32 $0x7C, v2;
	s19 =	simm.s32 $0x4970  }
0x1da: {  	v4 =	vadd.s32 v0, v2;
	v3 =	vld [tilespmem:s19+$0xFFFFFF90];
	_ =	sdelay $0x4  }
0x1db: {  	[tilespmem:v4+s7+$0x0] =	vst.idx.msk $0xffff, v3  }
0x1dc: {  	v2 =	vadd.s32 v1, v2;
	v3 =	vld [tilespmem:s19+$0xFFFFFFA0];
	_ =	sdelay $0x2  }
0x1dd: {  	s20 =	simm.s32 $0x1  }
0x1de: {  	v4 =	vmov s20  }
0x1df: {  	[tilespmem:v2+s7+$0x0] =	vst.idx.msk $0xffff, v3;
	v2 =	vand.u32 $0x7D, v4  }
0x1e0: {  	v3 =	vld [tilespmem:s19+$0xFFFFFFB0];
	v4 =	vadd.s32 v0, v2;
	_ =	sdelay $0x4  }
0x1e1: {  	[tilespmem:v4+s7+$0x0] =	vst.idx.msk $0xffff, v3  }
0x1e2: {  	v2 =	vadd.s32 v1, v2;
	v3 =	vld [tilespmem:s19+$0xFFFFFFC0];
	_ =	sdelay $0x2  }
0x1e3: {  	s21 =	simm.s32 $0x2  }
0x1e4: {  	v4 =	vmov s21  }
0x1e5: {  	[tilespmem:v2+s7+$0x0] =	vst.idx.msk $0xffff, v3;
	v2 =	vand.u32 $0x7E, v4  }
0x1e6: {  	v3 =	vld [tilespmem:s19+$0xFFFFFFD0];
	v4 =	vadd.s32 v0, v2;
	_ =	sdelay $0x4  }
0x1e7: {  	[tilespmem:v4+s7+$0x0] =	vst.idx.msk $0xffff, v3  }
0x1e8: {  	v2 =	vadd.s32 v1, v2;
	v3 =	vld [tilespmem:s19+$0xFFFFFFE0];
	_ =	sdelay $0x2  }
0x1e9: {  	s23 =	simm.s32 $0x3  }
0x1ea: {  	v4 =	vmov s23  }
0x1eb: {  	[tilespmem:v2+s7+$0x0] =	vst.idx.msk $0xffff, v3;
	v3 =	vand.u32 $0x7F, v4  }
0x1ec: {  	v2 =	vld [tilespmem:s19+$0xFFFFFFF0];
	v4 =	vadd.s32 v0, v3;
	_ =	sdelay $0x4  }
0x1ed: {  	[tilespmem:v4+s7+$0x0] =	vst.idx.msk $0xffff, v2  }
0x1ee: {  	v3 =	vadd.s32 v1, v3;
	v2 =	vld [tilespmem:s19+$0x0];
	_ =	sdelay $0x2  }
0x1ef: {  	s12 =	simm.s32 $0x4  }
0x1f0: {  	s20 =	simm.s32 $0x8;
	v4 =	vmov s12  }
.LBB2_14:
0x1f1: {  	p0 =	slt.u32 s20, $0x7C;
	v4 =	vand.u32 $0x7C, v4;
	[tilespmem:v3+s7+$0x0] =	vst.idx.msk $0xffff, v2;
	s19 =	sadd.s32 $0x80, s19  }
0x1f2: {  	v2 =	vld [tilespmem:s19+$0xFFFFFF90];
	v3 =	vadd.s32 v0, v4;
	_ =	sdelay $0x4  }
0x1f3: {  	[tilespmem:v3+s7+$0x0] =	vst.idx.msk $0xffff, v2  }
0x1f4: {  	v3 =	vadd.s32 v1, v4;
	v2 =	vld [tilespmem:s19+$0xFFFFFFA0];
	_ =	sdelay $0x2  }
0x1f5: {  	s21 =	sadd.s32 $0x1, s12  }
0x1f6: {  	v4 =	vmov s21  }
0x1f7: {  	[tilespmem:v3+s7+$0x0] =	vst.idx.msk $0xffff, v2;
	v2 =	vand.u32 $0x7D, v4  }
0x1f8: {  	v3 =	vld [tilespmem:s19+$0xFFFFFFB0];
	v4 =	vadd.s32 v0, v2;
	_ =	sdelay $0x4  }
0x1f9: {  	[tilespmem:v4+s7+$0x0] =	vst.idx.msk $0xffff, v3  }
0x1fa: {  	v2 =	vadd.s32 v1, v2;
	v3 =	vld [tilespmem:s19+$0xFFFFFFC0];
	_ =	sdelay $0x2  }
0x1fb: {  	s21 =	sadd.s32 $0x2, s12  }
0x1fc: {  	v4 =	vmov s21  }
0x1fd: {  	[tilespmem:v2+s7+$0x0] =	vst.idx.msk $0xffff, v3;
	v2 =	vand.u32 $0x7E, v4  }
0x1fe: {  	v3 =	vld [tilespmem:s19+$0xFFFFFFD0];
	v4 =	vadd.s32 v0, v2;
	_ =	sdelay $0x4  }
0x1ff: {  	[tilespmem:v4+s7+$0x0] =	vst.idx.msk $0xffff, v3  }
0x200: {  	v2 =	vadd.s32 v1, v2;
	v3 =	vld [tilespmem:s19+$0xFFFFFFE0];
	_ =	sdelay $0x2  }
0x201: {  	s21 =	sadd.s32 $0x3, s12;
	s12 =	smov.u32 s20  }
0x202: {  	v4 =	vmov s21  }
0x203: {  	[tilespmem:v2+s7+$0x0] =	vst.idx.msk $0xffff, v3;
	v3 =	vand.u32 $0x7F, v4  }
0x204: {  	v2 =	vld [tilespmem:s19+$0xFFFFFFF0];
	v4 =	vadd.s32 v0, v3;
	_ =	sdelay $0x4  }
0x205: {  	[tilespmem:v4+s7+$0x0] =	vst.idx.msk $0xffff, v2  }
.Ltmp6:
0x206: {  	v3 =	vadd.s32 v1, v3;
	v2 =	vld [tilespmem:s19+$0x0];
	(pc) =	sbr.rel @p0 .LBB2_14-.Ltmp6, $2  }
0x207: {  	_ =	sdelay $0x2  }
0x208: {  	s20 =	sadd.s32 $0x4, s20;
	v4 =	vmov s12  }
0x209: {  	_ =	sdelay $0x3  }
0x20a: {  	v4 =	vand.u32 $0x7C, v4;
	[tilespmem:v3+s7+$0x0] =	vst.idx.msk $0xffff, v2;
	s19 =	sadd.s32 $0x80, s19  }
0x20b: {  	v2 =	vld [tilespmem:s19+$0xFFFFFF90];
	v3 =	vadd.s32 v0, v4;
	_ =	sdelay $0x4  }
0x20c: {  	[tilespmem:v3+s7+$0x0] =	vst.idx.msk $0xffff, v2  }
0x20d: {  	v3 =	vadd.s32 v1, v4;
	v2 =	vld [tilespmem:s19+$0xFFFFFFA0];
	_ =	sdelay $0x2  }
0x20e: {  	s20 =	sadd.s32 $0x1, s12  }
0x20f: {  	v61 =	vmov s20  }
0x210: {  	[tilespmem:v3+s7+$0x0] =	vst.idx.msk $0xffff, v2;
	v2 =	vand.u32 $0x7D, v61  }
0x211: {  	v3 =	vld [tilespmem:s19+$0xFFFFFFB0];
	v4 =	vadd.s32 v0, v2;
	_ =	sdelay $0x4  }
0x212: {  	[tilespmem:v4+s7+$0x0] =	vst.idx.msk $0xffff, v3  }
0x213: {  	v2 =	vadd.s32 v1, v2;
	v3 =	vld [tilespmem:s19+$0xFFFFFFC0];
	_ =	sdelay $0x2  }
0x214: {  	s23 =	sadd.s32 $0x2, s12  }
0x215: {  	v62 =	vmov s23  }
0x216: {  	[tilespmem:v2+s7+$0x0] =	vst.idx.msk $0xffff, v3;
	v2 =	vand.u32 $0x7E, v62  }
0x217: {  	v3 =	vld [tilespmem:s19+$0xFFFFFFD0];
	v4 =	vadd.s32 v0, v2;
	_ =	sdelay $0x4  }
0x218: {  	[tilespmem:v4+s7+$0x0] =	vst.idx.msk $0xffff, v3  }
0x219: {  	v2 =	vadd.s32 v1, v2;
	v3 =	vld [tilespmem:s19+$0xFFFFFFE0];
	_ =	sdelay $0x2  }
0x21a: {  	s20 =	sadd.s32 $0x3, s12  }
0x21b: {  	v63 =	vmov s20  }
0x21c: {  	[tilespmem:v2+s7+$0x0] =	vst.idx.msk $0xffff, v3;
	v2 =	vand.u32 $0x7F, v63  }
0x21d: {  	v3 =	vld [tilespmem:s19+$0xFFFFFFF0];
	v4 =	vadd.s32 v0, v2;
	_ =	sdelay $0x4  }
0x21e: {  	[tilespmem:v4+s7+$0x0] =	vst.idx.msk $0xffff, v3  }
0x21f: {  	v2 =	vadd.s32 v1, v2;
	v3 =	vld [tilespmem:s19+$0x0];
	_ =	sdelay $0x3  }
0x220: {  	s4 =	sor.u32 $0x10000, s4  }
0x221: {  	s4 =	sadd.s32 s1, s4;
	[tilespmem:v2+s7+$0x0] =	vst.idx.msk $0xffff, v3  }
0x222: {  	[hbm4b:s4+s2] =	stream.linear.scatter [tilespmem:s7], [sflag:$0x4], $0x80, $0x38;
	[tilespmem:$0x9D00] =	vst v63  }
0x223: {  	s23 =	simm.s32 $0x8C88;
	s21 =	sadd.s32 $0x10, s4  }
0x224: {  	[hbm4b:s21+s2] =	stream.linear.scatter [tilespmem:s23], [sflag:$0x4], $0x80, $0x38;
	[tilespmem:$0x9D00] =	vst v63  }
0x225: {  	s20 =	simm.s32 $0x8D10;
	s19 =	sadd.s32 $0x20, s4  }
0x226: {  	[hbm4b:s19+s2] =	stream.linear.scatter [tilespmem:s20], [sflag:$0x4], $0x80, $0x38;
	[tilespmem:$0x9D00] =	vst v63  }
0x227: {  	s21 =	sadd.s32 $0x30, s4;
	s23 =	simm.s32 $0x8D98  }
0x228: {  	[hbm4b:s21+s2] =	stream.linear.scatter [tilespmem:s23], [sflag:$0x4], $0x80, $0x38;
	[tilespmem:$0x9D00] =	vst v63  }
0x229: {  	s19 =	sadd.s32 $0x40, s4;
	s20 =	simm.s32 $0x8E20  }
0x22a: {  	[hbm4b:s19+s2] =	stream.linear.scatter [tilespmem:s20], [sflag:$0x4], $0x80, $0x38;
	[tilespmem:$0x9D00] =	vst v63  }
0x22b: {  	s21 =	sadd.s32 $0x50, s4;
	s23 =	simm.s32 $0x8EA8  }
0x22c: {  	[hbm4b:s21+s2] =	stream.linear.scatter [tilespmem:s23], [sflag:$0x4], $0x80, $0x38;
	[tilespmem:$0x9D00] =	vst v63  }
0x22d: {  	s19 =	sadd.s32 $0x60, s4;
	s20 =	simm.s32 $0x8F30  }
0x22e: {  	[hbm4b:s19+s2] =	stream.linear.scatter [tilespmem:s20], [sflag:$0x4], $0x80, $0x38;
	[tilespmem:$0x9D00] =	vst v63  }
0x22f: {  	s21 =	sadd.s32 $0x70, s4;
	s23 =	simm.s32 $0x8FB8  }
0x230: {  	[hbm4b:s21+s2] =	stream.linear.scatter [tilespmem:s23], [sflag:$0x4], $0x80, $0x38;
	[tilespmem:$0x9D00] =	vst v63  }
0x231: {  	s19 =	sadd.s32 $0x4000, s4;
	s20 =	simm.s32 $0x9040  }
0x232: {  	[hbm4b:s19+s2] =	stream.linear.scatter [tilespmem:s20], [sflag:$0x4], $0x80, $0x38;
	[tilespmem:$0x9D00] =	vst v63  }
0x233: {  	s21 =	sadd.s32 $0x4010, s4;
	s23 =	simm.s32 $0x90C8  }
0x234: {  	[hbm4b:s21+s2] =	stream.linear.scatter [tilespmem:s23], [sflag:$0x4], $0x80, $0x38;
	[tilespmem:$0x9D00] =	vst v63  }
0x235: {  	s19 =	sadd.s32 $0x4020, s4;
	s20 =	simm.s32 $0x9150  }
0x236: {  	[hbm4b:s19+s2] =	stream.linear.scatter [tilespmem:s20], [sflag:$0x4], $0x80, $0x38;
	[tilespmem:$0x9D00] =	vst v63  }
0x237: {  	s21 =	sadd.s32 $0x4030, s4;
	s23 =	simm.s32 $0x91D8  }
0x238: {  	[hbm4b:s21+s2] =	stream.linear.scatter [tilespmem:s23], [sflag:$0x4], $0x80, $0x38;
	[tilespmem:$0x9D00] =	vst v63  }
0x239: {  	s19 =	sadd.s32 $0x4040, s4;
	s20 =	simm.s32 $0x9260  }
0x23a: {  	[hbm4b:s19+s2] =	stream.linear.scatter [tilespmem:s20], [sflag:$0x4], $0x80, $0x38;
	[tilespmem:$0x9D00] =	vst v63  }
0x23b: {  	s21 =	sadd.s32 $0x4050, s4;
	s23 =	simm.s32 $0x92E8  }
0x23c: {  	[hbm4b:s21+s2] =	stream.linear.scatter [tilespmem:s23], [sflag:$0x4], $0x80, $0x38;
	[tilespmem:$0x9D00] =	vst v63  }
0x23d: {  	s19 =	sadd.s32 $0x4060, s4;
	s20 =	simm.s32 $0x9370  }
0x23e: {  	[hbm4b:s19+s2] =	stream.linear.scatter [tilespmem:s20], [sflag:$0x4], $0x80, $0x38;
	[tilespmem:$0x9D00] =	vst v63  }
0x23f: {  	s21 =	sadd.s32 $0x4070, s4;
	s23 =	simm.s32 $0x93F8  }
0x240: {  	[hbm4b:s21+s2] =	stream.linear.scatter [tilespmem:s23], [sflag:$0x4], $0x80, $0x38;
	[tilespmem:$0x9D00] =	vst v63  }
0x241: {  	s19 =	sadd.s32 $0x8000, s4;
	s20 =	simm.s32 $0x9480  }
0x242: {  	[hbm4b:s19+s2] =	stream.linear.scatter [tilespmem:s20], [sflag:$0x4], $0x80, $0x38;
	[tilespmem:$0x9D00] =	vst v63  }
0x243: {  	s21 =	sadd.s32 $0x8010, s4;
	s23 =	simm.s32 $0x9508  }
0x244: {  	[hbm4b:s21+s2] =	stream.linear.scatter [tilespmem:s23], [sflag:$0x4], $0x80, $0x38;
	[tilespmem:$0x9D00] =	vst v63  }
0x245: {  	s19 =	sadd.s32 $0x8020, s4;
	s20 =	simm.s32 $0x9590  }
0x246: {  	[hbm4b:s19+s2] =	stream.linear.scatter [tilespmem:s20], [sflag:$0x4], $0x80, $0x38;
	[tilespmem:$0x9D00] =	vst v63  }
0x247: {  	s21 =	sadd.s32 $0x8030, s4;
	s23 =	simm.s32 $0x9618  }
0x248: {  	[hbm4b:s21+s2] =	stream.linear.scatter [tilespmem:s23], [sflag:$0x4], $0x80, $0x38;
	[tilespmem:$0x9D00] =	vst v63  }
0x249: {  	s19 =	sadd.s32 $0x8040, s4;
	s20 =	simm.s32 $0x96A0  }
0x24a: {  	[hbm4b:s19+s2] =	stream.linear.scatter [tilespmem:s20], [sflag:$0x4], $0x80, $0x38;
	[tilespmem:$0x9D00] =	vst v63  }
0x24b: {  	s21 =	sadd.s32 $0x8050, s4  }
0x24c: {  	[hbm4b:s21+s2] =	stream.linear.scatter [tilespmem:s13], [sflag:$0x4], $0x80, $0x38;
	[tilespmem:$0x9D00] =	vst v63  }
0x24d: {  	s23 =	sadd.s32 $0x8060, s4  }
0x24e: {  	[hbm4b:s23+s2] =	stream.linear.scatter [tilespmem:s24], [sflag:$0x4], $0x80, $0x38;
	[tilespmem:$0x9D00] =	vst v63  }
0x24f: {  	s19 =	sadd.s32 $0x8070, s4  }
0x250: {  	[hbm4b:s19+s2] =	stream.linear.scatter [tilespmem:s9], [sflag:$0x4], $0x80, $0x38;
	[tilespmem:$0x9D00] =	vst v63  }
0x251: {  	s20 =	sadd.s32 $0xC000, s4  }
0x252: {  	[hbm4b:s20+s2] =	stream.linear.scatter [tilespmem:s25], [sflag:$0x4], $0x80, $0x38;
	[tilespmem:$0x9D00] =	vst v63  }
0x253: {  	s21 =	sadd.s32 $0xC010, s4  }
0x254: {  	[hbm4b:s21+s2] =	stream.linear.scatter [tilespmem:s16], [sflag:$0x4], $0x80, $0x38;
	[tilespmem:$0x9D00] =	vst v63  }
0x255: {  	s23 =	sadd.s32 $0xC020, s4  }
0x256: {  	[hbm4b:s23+s2] =	stream.linear.scatter [tilespmem:s26], [sflag:$0x4], $0x80, $0x38;
	[tilespmem:$0x9D00] =	vst v63  }
0x257: {  	s19 =	sadd.s32 $0xC030, s4  }
0x258: {  	[hbm4b:s19+s2] =	stream.linear.scatter [tilespmem:s8], [sflag:$0x4], $0x80, $0x38;
	[tilespmem:$0x9D00] =	vst v63  }
0x259: {  	s10 =	sadd.s32 $0x1, s10;
	s20 =	sadd.s32 $0xC040, s4  }
0x25a: {  	[hbm4b:s20+s2] =	stream.linear.scatter [tilespmem:s28], [sflag:$0x4], $0x80, $0x38;
	[tilespmem:$0x9D00] =	vst v63  }
0x25b: {  	p0 =	sne.s32 s10, $0xC;
	s21 =	sadd.s32 $0xC050, s4  }
0x25c: {  	[hbm4b:s21+s2] =	stream.linear.scatter [tilespmem:s17], [sflag:$0x4], $0x80, $0x38;
	[tilespmem:$0x9D00] =	vst v63  }
.Ltmp7:
0x25d: {  	_ = 	snop;
	(pc) =	sbr.rel @p0 .LBB2_3-.Ltmp7, $4  }
0x25e: {  	s23 =	sadd.s32 $0xC060, s4  }
0x25f: {  	[hbm4b:s23+s2] =	stream.linear.scatter [tilespmem:s29], [sflag:$0x4], $0x80, $0x38;
	[tilespmem:$0x9D00] =	vst v63  }
0x260: {  	s4 =	sadd.s32 $0xC070, s4  }
0x261: {  	[hbm4b:s4+s2] =	stream.linear.scatter [tilespmem:s6], [sflag:$0x4], $0x80, $0x38;
	[tilespmem:$0x9D00] =	vst v63  }
0x262: {  	s4 =	simm.s32 $0x1900;
	s10 =	simm.s32 $0x1800  }
0x263: {  	[tilespmem:s4], [sflag:$0x1] =	stream.indirect.gather [hbm4b:s5+s11], $0x20, s10, s11, $0xb8;
	[tilespmem:$0x9D00] =	vst v63  }
0x264: {  	_ =	swait.ge [sflag:s14], $0x2000  }
0x265: {  	[sflag:s14] =	ssyncset.done $0x0  }
0x266: {  	s20 =	simm.s32 $0x3;
	[sflag:s14] =	ssyncadd.s32 $0xFFFFE000  }
0x267: {  	_ =	swait.ge [sflag:s20], $0x1000  }
0x268: {  	[sflag:s20] =	ssyncset.done $0x0  }
0x269: {  	[sflag:s20] =	ssyncadd.s32 $0xFFFFF000  }
0x26a: {  	s18 =	simm.s32 $0x0;
	_ =	swait.ge [sflag:s20], $0x1000  }
0x26b: {  	v2 =	vmov s18;
	[sflag:s20] =	ssyncset.done $0x0  }
0x26c: {  	s4 =	simm.s32 $0x1940;
	v2 =	vand.u32 $0x7C, v2;
	[sflag:s20] =	ssyncadd.s32 $0xFFFFF000  }
0x26d: {  	v4 =	vadd.s32 v0, v2;
	v3 =	vld [tilespmem:s4+$0xFFFFFFC0];
	_ =	sdelay $0x4  }
0x26e: {  	[tilespmem:v4+s15+$0x0] =	vst.idx.msk $0xffff, v3  }
0x26f: {  	v2 =	vadd.s32 v1, v2;
	v3 =	vld [tilespmem:s4+$0xFFFFFFD0];
	_ =	sdelay $0x2  }
0x270: {  	s19 =	simm.s32 $0x1  }
0x271: {  	v4 =	vmov s19  }
0x272: {  	[tilespmem:v2+s15+$0x0] =	vst.idx.msk $0xffff, v3;
	v2 =	vand.u32 $0x7D, v4  }
0x273: {  	v3 =	vld [tilespmem:s4+$0xFFFFFFE0];
	v4 =	vadd.s32 v0, v2;
	_ =	sdelay $0x4  }
0x274: {  	[tilespmem:v4+s15+$0x0] =	vst.idx.msk $0xffff, v3  }
0x275: {  	v2 =	vadd.s32 v1, v2;
	v3 =	vld [tilespmem:s4+$0xFFFFFFF0];
	_ =	sdelay $0x2  }
0x276: {  	s21 =	simm.s32 $0x2  }
0x277: {  	v4 =	vmov s21  }
0x278: {  	[tilespmem:v2+s15+$0x0] =	vst.idx.msk $0xffff, v3;
	v2 =	vand.u32 $0x7E, v4  }
0x279: {  	v3 =	vld [tilespmem:s4+$0x0];
	v4 =	vadd.s32 v0, v2;
	_ =	sdelay $0x4  }
0x27a: {  	[tilespmem:v4+s15+$0x0] =	vst.idx.msk $0xffff, v3  }
0x27b: {  	v2 =	vadd.s32 v1, v2;
	v3 =	vld [tilespmem:s4+$0x10];
	_ =	sdelay $0x2  }
0x27c: {  	s23 =	simm.s32 $0x3  }
0x27d: {  	v4 =	vmov s23  }
0x27e: {  	[tilespmem:v2+s15+$0x0] =	vst.idx.msk $0xffff, v3;
	v3 =	vand.u32 $0x7F, v4  }
0x27f: {  	v2 =	vld [tilespmem:s4+$0x20];
	v4 =	vadd.s32 v0, v3;
	_ =	sdelay $0x4  }
0x280: {  	[tilespmem:v4+s15+$0x0] =	vst.idx.msk $0xffff, v2  }
0x281: {  	v3 =	vadd.s32 v1, v3;
	v2 =	vld [tilespmem:s4+$0x30];
	_ =	sdelay $0x2  }
0x282: {  	s10 =	simm.s32 $0x4  }
0x283: {  	s12 =	simm.s32 $0x8;
	v4 =	vmov s10  }
.LBB2_17:
0x284: {  	p0 =	slt.u32 s12, $0x7C;
	v4 =	vand.u32 $0x7C, v4;
	[tilespmem:v3+s15+$0x0] =	vst.idx.msk $0xffff, v2;
	s4 =	sadd.s32 $0x80, s4  }
0x285: {  	v2 =	vld [tilespmem:s4+$0xFFFFFFC0];
	v3 =	vadd.s32 v0, v4;
	_ =	sdelay $0x4  }
0x286: {  	[tilespmem:v3+s15+$0x0] =	vst.idx.msk $0xffff, v2  }
0x287: {  	v3 =	vadd.s32 v1, v4;
	v2 =	vld [tilespmem:s4+$0xFFFFFFD0];
	_ =	sdelay $0x2  }
0x288: {  	s18 =	sadd.s32 $0x1, s10  }
0x289: {  	v4 =	vmov s18  }
0x28a: {  	[tilespmem:v3+s15+$0x0] =	vst.idx.msk $0xffff, v2;
	v2 =	vand.u32 $0x7D, v4  }
0x28b: {  	v3 =	vld [tilespmem:s4+$0xFFFFFFE0];
	v4 =	vadd.s32 v0, v2;
	_ =	sdelay $0x4  }
0x28c: {  	[tilespmem:v4+s15+$0x0] =	vst.idx.msk $0xffff, v3  }
0x28d: {  	v2 =	vadd.s32 v1, v2;
	v3 =	vld [tilespmem:s4+$0xFFFFFFF0];
	_ =	sdelay $0x2  }
0x28e: {  	s18 =	sadd.s32 $0x2, s10  }
0x28f: {  	v4 =	vmov s18  }
0x290: {  	[tilespmem:v2+s15+$0x0] =	vst.idx.msk $0xffff, v3;
	v2 =	vand.u32 $0x7E, v4  }
0x291: {  	v3 =	vld [tilespmem:s4+$0x0];
	v4 =	vadd.s32 v0, v2;
	_ =	sdelay $0x4  }
0x292: {  	[tilespmem:v4+s15+$0x0] =	vst.idx.msk $0xffff, v3  }
0x293: {  	v2 =	vadd.s32 v1, v2;
	v3 =	vld [tilespmem:s4+$0x10];
	_ =	sdelay $0x2  }
0x294: {  	s18 =	sadd.s32 $0x3, s10;
	s10 =	smov.u32 s12  }
0x295: {  	v4 =	vmov s18  }
0x296: {  	[tilespmem:v2+s15+$0x0] =	vst.idx.msk $0xffff, v3;
	v3 =	vand.u32 $0x7F, v4  }
0x297: {  	v2 =	vld [tilespmem:s4+$0x20];
	v4 =	vadd.s32 v0, v3;
	_ =	sdelay $0x4  }
0x298: {  	[tilespmem:v4+s15+$0x0] =	vst.idx.msk $0xffff, v2  }
.Ltmp8:
0x299: {  	v3 =	vadd.s32 v1, v3;
	v2 =	vld [tilespmem:s4+$0x30];
	(pc) =	sbr.rel @p0 .LBB2_17-.Ltmp8, $2  }
0x29a: {  	_ =	sdelay $0x2  }
0x29b: {  	s12 =	sadd.s32 $0x4, s12;
	v4 =	vmov s10  }
0x29c: {  	_ =	sdelay $0x3  }
0x29d: {  	v4 =	vand.u32 $0x7C, v4;
	[tilespmem:v3+s15+$0x0] =	vst.idx.msk $0xffff, v2;
	s4 =	sadd.s32 $0x80, s4  }
0x29e: {  	v2 =	vld [tilespmem:s4+$0xFFFFFFC0];
	v3 =	vadd.s32 v0, v4;
	_ =	sdelay $0x4  }
0x29f: {  	[tilespmem:v3+s15+$0x0] =	vst.idx.msk $0xffff, v2  }
0x2a0: {  	v3 =	vadd.s32 v1, v4;
	v2 =	vld [tilespmem:s4+$0xFFFFFFD0];
	_ =	sdelay $0x2  }
0x2a1: {  	s12 =	sadd.s32 $0x1, s10  }
0x2a2: {  	v4 =	vmov s12  }
0x2a3: {  	[tilespmem:v3+s15+$0x0] =	vst.idx.msk $0xffff, v2;
	v2 =	vand.u32 $0x7D, v4  }
0x2a4: {  	v3 =	vld [tilespmem:s4+$0xFFFFFFE0];
	v4 =	vadd.s32 v0, v2;
	_ =	sdelay $0x4  }
0x2a5: {  	[tilespmem:v4+s15+$0x0] =	vst.idx.msk $0xffff, v3  }
0x2a6: {  	v2 =	vadd.s32 v1, v2;
	v3 =	vld [tilespmem:s4+$0xFFFFFFF0];
	_ =	sdelay $0x2  }
0x2a7: {  	s23 =	sadd.s32 $0x2, s10  }
0x2a8: {  	v4 =	vmov s23  }
0x2a9: {  	[tilespmem:v2+s15+$0x0] =	vst.idx.msk $0xffff, v3;
	v2 =	vand.u32 $0x7E, v4  }
0x2aa: {  	v3 =	vld [tilespmem:s4+$0x0];
	v4 =	vadd.s32 v0, v2;
	_ =	sdelay $0x4  }
0x2ab: {  	[tilespmem:v4+s15+$0x0] =	vst.idx.msk $0xffff, v3  }
0x2ac: {  	v2 =	vadd.s32 v1, v2;
	v3 =	vld [tilespmem:s4+$0x10];
	_ =	sdelay $0x2  }
0x2ad: {  	s12 =	sadd.s32 $0x3, s10  }
0x2ae: {  	v4 =	vmov s12  }
0x2af: {  	[tilespmem:v2+s15+$0x0] =	vst.idx.msk $0xffff, v3;
	v2 =	vand.u32 $0x7F, v4  }
0x2b0: {  	v3 =	vld [tilespmem:s4+$0x20];
	v4 =	vadd.s32 v0, v2;
	_ =	sdelay $0x4  }
0x2b1: {  	[tilespmem:v4+s15+$0x0] =	vst.idx.msk $0xffff, v3  }
0x2b2: {  	v2 =	vadd.s32 v1, v2;
	v3 =	vld [tilespmem:s4+$0x30];
	_ =	sdelay $0x2  }
0x2b3: {  	s18 =	rddreg [dreg:$0xa]  }
0x2b4: {  	s19 =	rddreg [dreg:$0x5];
	s10 =	sshll.u32 s18, $0x7  }
0x2b5: {  	s12 =	sadd.s32 s10, s19;
	s4 =	simm.s32 $0x0;
	[tilespmem:v2+s15+$0x0] =	vst.idx.msk $0xffff, v3  }
0x2b6: {  	[hbm4b:s12+s4] =	stream.linear.scatter [tilespmem:s15], [sflag:$0x3], $0x80, $0x38;
	[tilespmem:$0x9D00] =	vst v63  }
0x2b7: {  	s19 =	simm.s32 $0x5988;
	s18 =	sadd.s32 $0x10, s12  }
0x2b8: {  	[hbm4b:s18+s4] =	stream.linear.scatter [tilespmem:s19], [sflag:$0x3], $0x80, $0x38;
	[tilespmem:$0x9D00] =	vst v63  }
0x2b9: {  	s23 =	simm.s32 $0x5A10;
	s21 =	sadd.s32 $0x20, s12  }
0x2ba: {  	[hbm4b:s21+s4] =	stream.linear.scatter [tilespmem:s23], [sflag:$0x3], $0x80, $0x38;
	[tilespmem:$0x9D00] =	vst v63  }
0x2bb: {  	s21 =	sadd.s32 $0x30, s12;
	s23 =	simm.s32 $0x5A98  }
0x2bc: {  	[hbm4b:s21+s4] =	stream.linear.scatter [tilespmem:s23], [sflag:$0x3], $0x80, $0x38;
	[tilespmem:$0x9D00] =	vst v63  }
0x2bd: {  	s21 =	sadd.s32 $0x40, s12;
	s23 =	simm.s32 $0x5B20  }
0x2be: {  	[hbm4b:s21+s4] =	stream.linear.scatter [tilespmem:s23], [sflag:$0x3], $0x80, $0x38;
	[tilespmem:$0x9D00] =	vst v63  }
0x2bf: {  	s21 =	sadd.s32 $0x50, s12;
	s23 =	simm.s32 $0x5BA8  }
0x2c0: {  	[hbm4b:s21+s4] =	stream.linear.scatter [tilespmem:s23], [sflag:$0x3], $0x80, $0x38;
	[tilespmem:$0x9D00] =	vst v63  }
0x2c1: {  	s21 =	sadd.s32 $0x60, s12;
	s23 =	simm.s32 $0x5C30  }
0x2c2: {  	[hbm4b:s21+s4] =	stream.linear.scatter [tilespmem:s23], [sflag:$0x3], $0x80, $0x38;
	[tilespmem:$0x9D00] =	vst v63  }
0x2c3: {  	s21 =	sadd.s32 $0x70, s12;
	s23 =	simm.s32 $0x5CB8  }
0x2c4: {  	[hbm4b:s21+s4] =	stream.linear.scatter [tilespmem:s23], [sflag:$0x3], $0x80, $0x38;
	[tilespmem:$0x9D00] =	vst v63  }
0x2c5: {  	s21 =	sadd.s32 $0x4000, s12;
	s23 =	simm.s32 $0x5D40  }
0x2c6: {  	[hbm4b:s21+s4] =	stream.linear.scatter [tilespmem:s23], [sflag:$0x3], $0x80, $0x38;
	[tilespmem:$0x9D00] =	vst v63  }
0x2c7: {  	s21 =	sadd.s32 $0x4010, s12;
	s23 =	simm.s32 $0x5DC8  }
0x2c8: {  	[hbm4b:s21+s4] =	stream.linear.scatter [tilespmem:s23], [sflag:$0x3], $0x80, $0x38;
	[tilespmem:$0x9D00] =	vst v63  }
0x2c9: {  	s21 =	sadd.s32 $0x4020, s12;
	s23 =	simm.s32 $0x5E50  }
0x2ca: {  	[hbm4b:s21+s4] =	stream.linear.scatter [tilespmem:s23], [sflag:$0x3], $0x80, $0x38;
	[tilespmem:$0x9D00] =	vst v63  }
0x2cb: {  	s21 =	sadd.s32 $0x4030, s12;
	s23 =	simm.s32 $0x5ED8  }
0x2cc: {  	[hbm4b:s21+s4] =	stream.linear.scatter [tilespmem:s23], [sflag:$0x3], $0x80, $0x38;
	[tilespmem:$0x9D00] =	vst v63  }
0x2cd: {  	s21 =	sadd.s32 $0x4040, s12;
	s23 =	simm.s32 $0x5F60  }
0x2ce: {  	[hbm4b:s21+s4] =	stream.linear.scatter [tilespmem:s23], [sflag:$0x3], $0x80, $0x38;
	[tilespmem:$0x9D00] =	vst v63  }
0x2cf: {  	s21 =	sadd.s32 $0x4050, s12;
	s23 =	simm.s32 $0x5FE8  }
0x2d0: {  	[hbm4b:s21+s4] =	stream.linear.scatter [tilespmem:s23], [sflag:$0x3], $0x80, $0x38;
	[tilespmem:$0x9D00] =	vst v63  }
0x2d1: {  	s21 =	sadd.s32 $0x4060, s12;
	s23 =	simm.s32 $0x6070  }
0x2d2: {  	[hbm4b:s21+s4] =	stream.linear.scatter [tilespmem:s23], [sflag:$0x3], $0x80, $0x38;
	[tilespmem:$0x9D00] =	vst v63  }
0x2d3: {  	s21 =	sadd.s32 $0x4070, s12;
	s23 =	simm.s32 $0x60F8  }
0x2d4: {  	[hbm4b:s21+s4] =	stream.linear.scatter [tilespmem:s23], [sflag:$0x3], $0x80, $0x38;
	[tilespmem:$0x9D00] =	vst v63  }
0x2d5: {  	s21 =	sadd.s32 $0x8000, s12;
	s23 =	simm.s32 $0x6180  }
0x2d6: {  	[hbm4b:s21+s4] =	stream.linear.scatter [tilespmem:s23], [sflag:$0x3], $0x80, $0x38;
	[tilespmem:$0x9D00] =	vst v63  }
0x2d7: {  	s21 =	sadd.s32 $0x8010, s12;
	s23 =	simm.s32 $0x6208  }
0x2d8: {  	[hbm4b:s21+s4] =	stream.linear.scatter [tilespmem:s23], [sflag:$0x3], $0x80, $0x38;
	[tilespmem:$0x9D00] =	vst v63  }
0x2d9: {  	s21 =	sadd.s32 $0x8020, s12;
	s23 =	simm.s32 $0x6290  }
0x2da: {  	[hbm4b:s21+s4] =	stream.linear.scatter [tilespmem:s23], [sflag:$0x3], $0x80, $0x38;
	[tilespmem:$0x9D00] =	vst v63  }
0x2db: {  	s21 =	sadd.s32 $0x8030, s12;
	s23 =	simm.s32 $0x6318  }
0x2dc: {  	[hbm4b:s21+s4] =	stream.linear.scatter [tilespmem:s23], [sflag:$0x3], $0x80, $0x38;
	[tilespmem:$0x9D00] =	vst v63  }
0x2dd: {  	s21 =	sadd.s32 $0x8040, s12;
	s23 =	simm.s32 $0x63A0  }
0x2de: {  	[hbm4b:s21+s4] =	stream.linear.scatter [tilespmem:s23], [sflag:$0x3], $0x80, $0x38;
	[tilespmem:$0x9D00] =	vst v63  }
0x2df: {  	s21 =	sadd.s32 $0x8050, s12;
	s23 =	simm.s32 $0x6428  }
0x2e0: {  	[hbm4b:s21+s4] =	stream.linear.scatter [tilespmem:s23], [sflag:$0x3], $0x80, $0x38;
	[tilespmem:$0x9D00] =	vst v63  }
0x2e1: {  	s21 =	sadd.s32 $0x8060, s12;
	s23 =	simm.s32 $0x64B0  }
0x2e2: {  	[hbm4b:s21+s4] =	stream.linear.scatter [tilespmem:s23], [sflag:$0x3], $0x80, $0x38;
	[tilespmem:$0x9D00] =	vst v63  }
0x2e3: {  	s21 =	sadd.s32 $0x8070, s12;
	s23 =	simm.s32 $0x6538  }
0x2e4: {  	[hbm4b:s21+s4] =	stream.linear.scatter [tilespmem:s23], [sflag:$0x3], $0x80, $0x38;
	[tilespmem:$0x9D00] =	vst v63  }
0x2e5: {  	s21 =	sadd.s32 $0xC000, s12;
	s23 =	simm.s32 $0x65C0  }
0x2e6: {  	[hbm4b:s21+s4] =	stream.linear.scatter [tilespmem:s23], [sflag:$0x3], $0x80, $0x38;
	[tilespmem:$0x9D00] =	vst v63  }
0x2e7: {  	s21 =	sadd.s32 $0xC010, s12;
	s23 =	simm.s32 $0x6648  }
0x2e8: {  	[hbm4b:s21+s4] =	stream.linear.scatter [tilespmem:s23], [sflag:$0x3], $0x80, $0x38;
	[tilespmem:$0x9D00] =	vst v63  }
0x2e9: {  	s21 =	sadd.s32 $0xC020, s12;
	s23 =	simm.s32 $0x66D0  }
0x2ea: {  	[hbm4b:s21+s4] =	stream.linear.scatter [tilespmem:s23], [sflag:$0x3], $0x80, $0x38;
	[tilespmem:$0x9D00] =	vst v63  }
0x2eb: {  	s21 =	sadd.s32 $0xC030, s12;
	s23 =	simm.s32 $0x6758  }
0x2ec: {  	[hbm4b:s21+s4] =	stream.linear.scatter [tilespmem:s23], [sflag:$0x3], $0x80, $0x38;
	[tilespmem:$0x9D00] =	vst v63  }
0x2ed: {  	s21 =	sadd.s32 $0xC040, s12;
	s23 =	simm.s32 $0x67E0  }
0x2ee: {  	[hbm4b:s21+s4] =	stream.linear.scatter [tilespmem:s23], [sflag:$0x3], $0x80, $0x38;
	[tilespmem:$0x9D00] =	vst v63  }
0x2ef: {  	s21 =	sadd.s32 $0xC050, s12;
	s23 =	simm.s32 $0x6868  }
0x2f0: {  	[hbm4b:s21+s4] =	stream.linear.scatter [tilespmem:s23], [sflag:$0x3], $0x80, $0x38;
	[tilespmem:$0x9D00] =	vst v63  }
0x2f1: {  	s19 =	sadd.s32 $0xC060, s12;
	s21 =	simm.s32 $0x68F0  }
0x2f2: {  	[hbm4b:s19+s4] =	stream.linear.scatter [tilespmem:s21], [sflag:$0x3], $0x80, $0x38;
	[tilespmem:$0x9D00] =	vst v63  }
0x2f3: {  	s12 =	sadd.s32 $0xC070, s12;
	s23 =	simm.s32 $0x6978  }
0x2f4: {  	v2 =	vmov s4;
	[hbm4b:s12+s4] =	stream.linear.scatter [tilespmem:s23], [sflag:$0x3], $0x80, $0x38;
	[tilespmem:$0x9D00] =	vst v63  }
0x2f5: {  	v2 =	vand.u32 $0x7C, v2;
	s4 =	simm.s32 $0x2970  }
0x2f6: {  	v4 =	vadd.s32 v0, v2;
	v3 =	vld [tilespmem:s4+$0xFFFFFF90];
	_ =	sdelay $0x4  }
0x2f7: {  	[tilespmem:v4+s22+$0x0] =	vst.idx.msk $0xffff, v3  }
0x2f8: {  	v2 =	vadd.s32 v1, v2;
	v3 =	vld [tilespmem:s4+$0xFFFFFFA0];
	_ =	sdelay $0x2  }
0x2f9: {  	s19 =	simm.s32 $0x1  }
0x2fa: {  	v4 =	vmov s19  }
0x2fb: {  	[tilespmem:v2+s22+$0x0] =	vst.idx.msk $0xffff, v3;
	v2 =	vand.u32 $0x7D, v4  }
0x2fc: {  	v3 =	vld [tilespmem:s4+$0xFFFFFFB0];
	v4 =	vadd.s32 v0, v2;
	_ =	sdelay $0x4  }
0x2fd: {  	[tilespmem:v4+s22+$0x0] =	vst.idx.msk $0xffff, v3  }
0x2fe: {  	v2 =	vadd.s32 v1, v2;
	v3 =	vld [tilespmem:s4+$0xFFFFFFC0];
	_ =	sdelay $0x2  }
0x2ff: {  	s21 =	simm.s32 $0x2  }
0x300: {  	v4 =	vmov s21  }
0x301: {  	[tilespmem:v2+s22+$0x0] =	vst.idx.msk $0xffff, v3;
	v2 =	vand.u32 $0x7E, v4  }
0x302: {  	v3 =	vld [tilespmem:s4+$0xFFFFFFD0];
	v4 =	vadd.s32 v0, v2;
	_ =	sdelay $0x4  }
0x303: {  	[tilespmem:v4+s22+$0x0] =	vst.idx.msk $0xffff, v3  }
0x304: {  	v2 =	vadd.s32 v1, v2;
	v3 =	vld [tilespmem:s4+$0xFFFFFFE0];
	_ =	sdelay $0x2  }
0x305: {  	s23 =	simm.s32 $0x3  }
0x306: {  	v4 =	vmov s23  }
0x307: {  	[tilespmem:v2+s22+$0x0] =	vst.idx.msk $0xffff, v3;
	v3 =	vand.u32 $0x7F, v4  }
0x308: {  	v2 =	vld [tilespmem:s4+$0xFFFFFFF0];
	v4 =	vadd.s32 v0, v3;
	_ =	sdelay $0x4  }
0x309: {  	[tilespmem:v4+s22+$0x0] =	vst.idx.msk $0xffff, v2  }
0x30a: {  	v3 =	vadd.s32 v1, v3;
	v2 =	vld [tilespmem:s4+$0x0];
	_ =	sdelay $0x2  }
0x30b: {  	s12 =	simm.s32 $0x4  }
0x30c: {  	s18 =	simm.s32 $0x8;
	v4 =	vmov s12  }
.LBB2_19:
0x30d: {  	p0 =	slt.u32 s18, $0x7C;
	v4 =	vand.u32 $0x7C, v4;
	[tilespmem:v3+s22+$0x0] =	vst.idx.msk $0xffff, v2;
	s4 =	sadd.s32 $0x80, s4  }
0x30e: {  	v2 =	vld [tilespmem:s4+$0xFFFFFF90];
	v3 =	vadd.s32 v0, v4;
	_ =	sdelay $0x4  }
0x30f: {  	[tilespmem:v3+s22+$0x0] =	vst.idx.msk $0xffff, v2  }
0x310: {  	v3 =	vadd.s32 v1, v4;
	v2 =	vld [tilespmem:s4+$0xFFFFFFA0];
	_ =	sdelay $0x2  }
0x311: {  	s19 =	sadd.s32 $0x1, s12  }
0x312: {  	v4 =	vmov s19  }
0x313: {  	[tilespmem:v3+s22+$0x0] =	vst.idx.msk $0xffff, v2;
	v2 =	vand.u32 $0x7D, v4  }
0x314: {  	v3 =	vld [tilespmem:s4+$0xFFFFFFB0];
	v4 =	vadd.s32 v0, v2;
	_ =	sdelay $0x4  }
0x315: {  	[tilespmem:v4+s22+$0x0] =	vst.idx.msk $0xffff, v3  }
0x316: {  	v2 =	vadd.s32 v1, v2;
	v3 =	vld [tilespmem:s4+$0xFFFFFFC0];
	_ =	sdelay $0x2  }
0x317: {  	s19 =	sadd.s32 $0x2, s12  }
0x318: {  	v4 =	vmov s19  }
0x319: {  	[tilespmem:v2+s22+$0x0] =	vst.idx.msk $0xffff, v3;
	v2 =	vand.u32 $0x7E, v4  }
0x31a: {  	v3 =	vld [tilespmem:s4+$0xFFFFFFD0];
	v4 =	vadd.s32 v0, v2;
	_ =	sdelay $0x4  }
0x31b: {  	[tilespmem:v4+s22+$0x0] =	vst.idx.msk $0xffff, v3  }
0x31c: {  	v2 =	vadd.s32 v1, v2;
	v3 =	vld [tilespmem:s4+$0xFFFFFFE0];
	_ =	sdelay $0x2  }
0x31d: {  	s19 =	sadd.s32 $0x3, s12;
	s12 =	smov.u32 s18  }
0x31e: {  	v4 =	vmov s19  }
0x31f: {  	[tilespmem:v2+s22+$0x0] =	vst.idx.msk $0xffff, v3;
	v3 =	vand.u32 $0x7F, v4  }
0x320: {  	v2 =	vld [tilespmem:s4+$0xFFFFFFF0];
	v4 =	vadd.s32 v0, v3;
	_ =	sdelay $0x4  }
0x321: {  	[tilespmem:v4+s22+$0x0] =	vst.idx.msk $0xffff, v2  }
.Ltmp9:
0x322: {  	v3 =	vadd.s32 v1, v3;
	v2 =	vld [tilespmem:s4+$0x0];
	(pc) =	sbr.rel @p0 .LBB2_19-.Ltmp9, $2  }
0x323: {  	_ =	sdelay $0x2  }
0x324: {  	s18 =	sadd.s32 $0x4, s18;
	v4 =	vmov s12  }
0x325: {  	_ =	sdelay $0x3  }
0x326: {  	v4 =	vand.u32 $0x7C, v4;
	[tilespmem:v3+s22+$0x0] =	vst.idx.msk $0xffff, v2;
	s4 =	sadd.s32 $0x80, s4  }
0x327: {  	v2 =	vld [tilespmem:s4+$0xFFFFFF90];
	v3 =	vadd.s32 v0, v4;
	_ =	sdelay $0x4  }
0x328: {  	[tilespmem:v3+s22+$0x0] =	vst.idx.msk $0xffff, v2  }
0x329: {  	v3 =	vadd.s32 v1, v4;
	v2 =	vld [tilespmem:s4+$0xFFFFFFA0];
	_ =	sdelay $0x2  }
0x32a: {  	s18 =	sadd.s32 $0x1, s12  }
0x32b: {  	v61 =	vmov s18  }
0x32c: {  	[tilespmem:v3+s22+$0x0] =	vst.idx.msk $0xffff, v2;
	v2 =	vand.u32 $0x7D, v61  }
0x32d: {  	v3 =	vld [tilespmem:s4+$0xFFFFFFB0];
	v4 =	vadd.s32 v0, v2;
	_ =	sdelay $0x4  }
0x32e: {  	[tilespmem:v4+s22+$0x0] =	vst.idx.msk $0xffff, v3  }
0x32f: {  	v2 =	vadd.s32 v1, v2;
	v3 =	vld [tilespmem:s4+$0xFFFFFFC0];
	_ =	sdelay $0x2  }
0x330: {  	s23 =	sadd.s32 $0x2, s12  }
0x331: {  	v62 =	vmov s23  }
0x332: {  	[tilespmem:v2+s22+$0x0] =	vst.idx.msk $0xffff, v3;
	v2 =	vand.u32 $0x7E, v62  }
0x333: {  	v3 =	vld [tilespmem:s4+$0xFFFFFFD0];
	v4 =	vadd.s32 v0, v2;
	_ =	sdelay $0x4  }
0x334: {  	[tilespmem:v4+s22+$0x0] =	vst.idx.msk $0xffff, v3  }
0x335: {  	v2 =	vadd.s32 v1, v2;
	v3 =	vld [tilespmem:s4+$0xFFFFFFE0];
	_ =	sdelay $0x2  }
0x336: {  	s19 =	sadd.s32 $0x3, s12  }
0x337: {  	v63 =	vmov s19  }
0x338: {  	[tilespmem:v2+s22+$0x0] =	vst.idx.msk $0xffff, v3;
	v2 =	vand.u32 $0x7F, v63  }
0x339: {  	v3 =	vld [tilespmem:s4+$0xFFFFFFF0];
	v4 =	vadd.s32 v0, v2;
	_ =	sdelay $0x4  }
0x33a: {  	[tilespmem:v4+s22+$0x0] =	vst.idx.msk $0xffff, v3  }
0x33b: {  	v2 =	vadd.s32 v1, v2;
	v3 =	vld [tilespmem:s4+$0x0];
	_ =	sdelay $0x3  }
0x33c: {  	s21 =	rddreg [dreg:$0x6]  }
0x33d: {  	s4 =	sadd.s32 s10, s21;
	[tilespmem:v2+s22+$0x0] =	vst.idx.msk $0xffff, v3  }
0x33e: {  	[hbm4b:s4+s2] =	stream.linear.scatter [tilespmem:s22], [sflag:$0x3], $0x80, $0x38;
	[tilespmem:$0x9D00] =	vst v63  }
0x33f: {  	s23 =	simm.s32 $0x6A88;
	s10 =	sadd.s32 $0x10, s4  }
0x340: {  	[hbm4b:s10+s2] =	stream.linear.scatter [tilespmem:s23], [sflag:$0x3], $0x80, $0x38;
	[tilespmem:$0x9D00] =	vst v63  }
0x341: {  	s19 =	simm.s32 $0x6B10;
	s18 =	sadd.s32 $0x20, s4  }
0x342: {  	[hbm4b:s18+s2] =	stream.linear.scatter [tilespmem:s19], [sflag:$0x3], $0x80, $0x38;
	[tilespmem:$0x9D00] =	vst v63  }
0x343: {  	s21 =	sadd.s32 $0x30, s4;
	s23 =	simm.s32 $0x6B98  }
0x344: {  	[hbm4b:s21+s2] =	stream.linear.scatter [tilespmem:s23], [sflag:$0x3], $0x80, $0x38;
	[tilespmem:$0x9D00] =	vst v63  }
0x345: {  	s18 =	sadd.s32 $0x40, s4;
	s19 =	simm.s32 $0x6C20  }
0x346: {  	[hbm4b:s18+s2] =	stream.linear.scatter [tilespmem:s19], [sflag:$0x3], $0x80, $0x38;
	[tilespmem:$0x9D00] =	vst v63  }
0x347: {  	s21 =	sadd.s32 $0x50, s4;
	s23 =	simm.s32 $0x6CA8  }
0x348: {  	[hbm4b:s21+s2] =	stream.linear.scatter [tilespmem:s23], [sflag:$0x3], $0x80, $0x38;
	[tilespmem:$0x9D00] =	vst v63  }
0x349: {  	s18 =	sadd.s32 $0x60, s4;
	s19 =	simm.s32 $0x6D30  }
0x34a: {  	[hbm4b:s18+s2] =	stream.linear.scatter [tilespmem:s19], [sflag:$0x3], $0x80, $0x38;
	[tilespmem:$0x9D00] =	vst v63  }
0x34b: {  	s21 =	sadd.s32 $0x70, s4;
	s23 =	simm.s32 $0x6DB8  }
0x34c: {  	[hbm4b:s21+s2] =	stream.linear.scatter [tilespmem:s23], [sflag:$0x3], $0x80, $0x38;
	[tilespmem:$0x9D00] =	vst v63  }
0x34d: {  	s18 =	sadd.s32 $0x4000, s4;
	s19 =	simm.s32 $0x6E40  }
0x34e: {  	[hbm4b:s18+s2] =	stream.linear.scatter [tilespmem:s19], [sflag:$0x3], $0x80, $0x38;
	[tilespmem:$0x9D00] =	vst v63  }
0x34f: {  	s21 =	sadd.s32 $0x4010, s4;
	s23 =	simm.s32 $0x6EC8  }
0x350: {  	[hbm4b:s21+s2] =	stream.linear.scatter [tilespmem:s23], [sflag:$0x3], $0x80, $0x38;
	[tilespmem:$0x9D00] =	vst v63  }
0x351: {  	s18 =	sadd.s32 $0x4020, s4;
	s19 =	simm.s32 $0x6F50  }
0x352: {  	[hbm4b:s18+s2] =	stream.linear.scatter [tilespmem:s19], [sflag:$0x3], $0x80, $0x38;
	[tilespmem:$0x9D00] =	vst v63  }
0x353: {  	s21 =	sadd.s32 $0x4030, s4;
	s23 =	simm.s32 $0x6FD8  }
0x354: {  	[hbm4b:s21+s2] =	stream.linear.scatter [tilespmem:s23], [sflag:$0x3], $0x80, $0x38;
	[tilespmem:$0x9D00] =	vst v63  }
0x355: {  	s18 =	sadd.s32 $0x4040, s4;
	s19 =	simm.s32 $0x7060  }
0x356: {  	[hbm4b:s18+s2] =	stream.linear.scatter [tilespmem:s19], [sflag:$0x3], $0x80, $0x38;
	[tilespmem:$0x9D00] =	vst v63  }
0x357: {  	s21 =	sadd.s32 $0x4050, s4;
	s23 =	simm.s32 $0x70E8  }
0x358: {  	[hbm4b:s21+s2] =	stream.linear.scatter [tilespmem:s23], [sflag:$0x3], $0x80, $0x38;
	[tilespmem:$0x9D00] =	vst v63  }
0x359: {  	s18 =	sadd.s32 $0x4060, s4;
	s19 =	simm.s32 $0x7170  }
0x35a: {  	[hbm4b:s18+s2] =	stream.linear.scatter [tilespmem:s19], [sflag:$0x3], $0x80, $0x38;
	[tilespmem:$0x9D00] =	vst v63  }
0x35b: {  	s21 =	sadd.s32 $0x4070, s4;
	s23 =	simm.s32 $0x71F8  }
0x35c: {  	[hbm4b:s21+s2] =	stream.linear.scatter [tilespmem:s23], [sflag:$0x3], $0x80, $0x38;
	[tilespmem:$0x9D00] =	vst v63  }
0x35d: {  	s18 =	sadd.s32 $0x8000, s4;
	s19 =	simm.s32 $0x7280  }
0x35e: {  	[hbm4b:s18+s2] =	stream.linear.scatter [tilespmem:s19], [sflag:$0x3], $0x80, $0x38;
	[tilespmem:$0x9D00] =	vst v63  }
0x35f: {  	s21 =	sadd.s32 $0x8010, s4;
	s23 =	simm.s32 $0x7308  }
0x360: {  	[hbm4b:s21+s2] =	stream.linear.scatter [tilespmem:s23], [sflag:$0x3], $0x80, $0x38;
	[tilespmem:$0x9D00] =	vst v63  }
0x361: {  	s18 =	sadd.s32 $0x8020, s4;
	s19 =	simm.s32 $0x7390  }
0x362: {  	[hbm4b:s18+s2] =	stream.linear.scatter [tilespmem:s19], [sflag:$0x3], $0x80, $0x38;
	[tilespmem:$0x9D00] =	vst v63  }
0x363: {  	s21 =	sadd.s32 $0x8030, s4;
	s23 =	simm.s32 $0x7418  }
0x364: {  	[hbm4b:s21+s2] =	stream.linear.scatter [tilespmem:s23], [sflag:$0x3], $0x80, $0x38;
	[tilespmem:$0x9D00] =	vst v63  }
0x365: {  	s18 =	sadd.s32 $0x8040, s4;
	s19 =	simm.s32 $0x74A0  }
0x366: {  	[hbm4b:s18+s2] =	stream.linear.scatter [tilespmem:s19], [sflag:$0x3], $0x80, $0x38;
	[tilespmem:$0x9D00] =	vst v63  }
0x367: {  	s21 =	sadd.s32 $0x8050, s4;
	s23 =	simm.s32 $0x7528  }
0x368: {  	[hbm4b:s21+s2] =	stream.linear.scatter [tilespmem:s23], [sflag:$0x3], $0x80, $0x38;
	[tilespmem:$0x9D00] =	vst v63  }
0x369: {  	s18 =	sadd.s32 $0x8060, s4;
	s19 =	simm.s32 $0x75B0  }
0x36a: {  	[hbm4b:s18+s2] =	stream.linear.scatter [tilespmem:s19], [sflag:$0x3], $0x80, $0x38;
	[tilespmem:$0x9D00] =	vst v63  }
0x36b: {  	s21 =	sadd.s32 $0x8070, s4;
	s23 =	simm.s32 $0x7638  }
0x36c: {  	[hbm4b:s21+s2] =	stream.linear.scatter [tilespmem:s23], [sflag:$0x3], $0x80, $0x38;
	[tilespmem:$0x9D00] =	vst v63  }
0x36d: {  	s18 =	sadd.s32 $0xC000, s4;
	s19 =	simm.s32 $0x76C0  }
0x36e: {  	[hbm4b:s18+s2] =	stream.linear.scatter [tilespmem:s19], [sflag:$0x3], $0x80, $0x38;
	[tilespmem:$0x9D00] =	vst v63  }
0x36f: {  	s21 =	sadd.s32 $0xC010, s4;
	s23 =	simm.s32 $0x7748  }
0x370: {  	[hbm4b:s21+s2] =	stream.linear.scatter [tilespmem:s23], [sflag:$0x3], $0x80, $0x38;
	[tilespmem:$0x9D00] =	vst v63  }
0x371: {  	s18 =	sadd.s32 $0xC020, s4;
	s19 =	simm.s32 $0x77D0  }
0x372: {  	[hbm4b:s18+s2] =	stream.linear.scatter [tilespmem:s19], [sflag:$0x3], $0x80, $0x38;
	[tilespmem:$0x9D00] =	vst v63  }
0x373: {  	s21 =	sadd.s32 $0xC030, s4;
	s23 =	simm.s32 $0x7858  }
0x374: {  	[hbm4b:s21+s2] =	stream.linear.scatter [tilespmem:s23], [sflag:$0x3], $0x80, $0x38;
	[tilespmem:$0x9D00] =	vst v63  }
0x375: {  	s18 =	sadd.s32 $0xC040, s4;
	s19 =	simm.s32 $0x78E0  }
0x376: {  	[hbm4b:s18+s2] =	stream.linear.scatter [tilespmem:s19], [sflag:$0x3], $0x80, $0x38;
	[tilespmem:$0x9D00] =	vst v63  }
0x377: {  	s21 =	sadd.s32 $0xC050, s4;
	s23 =	simm.s32 $0x7968  }
0x378: {  	[hbm4b:s21+s2] =	stream.linear.scatter [tilespmem:s23], [sflag:$0x3], $0x80, $0x38;
	[tilespmem:$0x9D00] =	vst v63  }
0x379: {  	s18 =	sadd.s32 $0xC060, s4;
	s19 =	simm.s32 $0x79F0  }
0x37a: {  	[hbm4b:s18+s2] =	stream.linear.scatter [tilespmem:s19], [sflag:$0x3], $0x80, $0x38;
	[tilespmem:$0x9D00] =	vst v63  }
0x37b: {  	s4 =	sadd.s32 $0xC070, s4;
	s21 =	simm.s32 $0x7A78  }
0x37c: {  	[hbm4b:s4+s2] =	stream.linear.scatter [tilespmem:s21], [sflag:$0x3], $0x80, $0x38;
	[tilespmem:$0x9D00] =	vst v63  }
0x37d: {  	_ =	swait.ge [sflag:s20], $0x1000  }
0x37e: {  	[sflag:s20] =	ssyncset.done $0x0  }
0x37f: {  	[sflag:s20] =	ssyncadd.s32 $0xFFFFF000  }
0x380: {  	_ =	swait.ge [sflag:s20], $0x1000  }
0x381: {  	[sflag:s20] =	ssyncset.done $0x0  }
0x382: {  	[sflag:s20] =	ssyncadd.s32 $0xFFFFF000  }
0x383: {  	_ =	swait.ge [sflag:s0], $0x1000  }
0x384: {  	[sflag:s0] =	ssyncset.done $0x0  }
0x385: {  	[sflag:s0] =	ssyncadd.s32 $0xFFFFF000  }
0x386: {  	_ =	swait.ge [sflag:s0], $0x1000  }
0x387: {  	s23 =	rddreg [dreg:$0x9]  }
0x388: {  	s10 =	sadd.s32 $0x1, s23  }
0x389: {  	p0 =	sne.s32 s10, $0x4  }
.Ltmp10:
0x38a: {  	_ = 	snop;
	(pc) =	sbr.rel @p0 .LBB2_2-.Ltmp10, $3  }
0x38b: {  	_ =	sdelay $0x1  }
0x38c: {  	[sflag:s0] =	ssyncset.done $0x0  }
0x38d: {  	[sflag:s0] =	ssyncadd.s32 $0xFFFFF000  }
0x38e: {  	s10 =	rddreg [dreg:$0x8]  }
0x38f: {  	s4 =	rddreg [dreg:$0x7];
	s10 =	sadd.s32 $0x1, s10  }
0x390: {  	p0 =	sne.s32 s10, s4  }
.Ltmp11:
0x391: {  	_ = 	snop;
	(pc) =	sbr.rel @p0 .LBB2_1-.Ltmp11, $1  }
0x392: {  	_ =	sdelay $0x3  }
0x393: {  	_ =	sfence.sel $0x180000  }
0x394: {  	[bflag:$0x0] =	sbarrier.arrive $0xFFFF  }
0x395: {  	_ =	strace $0x90000047  }
0x396: {  	s0 =	stileid.u32;
	[bflag:$0x2] =	sbarrier.arrive $0xFFFF  }
0x397: {  	p0 =	sne.s32 s0, $0x0;
	s0 =	rddreg [dreg:$0x2]  }
0x398: {  	s0 =	sadd.s32 @!p0 $0x100000, s0  }
0x399: {  	[sflag:s0] =	ssyncadd.tile.s32 @!p0 $0x1;
	_ =	shalt  }
.Lfunc_end2:
_tile_overlayer_lowered:
.L_overlay_start_2:
0x39a: {  	(tag) =	ssettag $0x2  }
0x39b: {  	s0 =	rddreg [dreg:$0x0];
	s2 =	stileid.u32  }
0x39c: {  	s1 =	rddreg [dreg:$0x1];
	p0 =	sne.s32 s2, $0x0  }
0x39d: {  	s3 =	rddreg [dreg:$0x2];
	[bflag:$0x3] =	sbarrier.arrive $0xFFFF;
	s2 =	simm.s32 @!p0 $0x1C05  }
0x39e: {  	[timem:s3], [sflag:s2] =	dma.local @!p0 [hbm:s0], s1  }
0x39f: {  	s0 =	simm.s32 @!p0 $0x5  }
0x3a0: {  	_ =	swait.ge @!p0 [sflag:s0], s1  }
0x3a1: {  	s1 =	ssub.s32 @!p0 $0x0, s1;
	[sflag:s0] =	ssyncset.done @!p0 $0x0  }
0x3a2: {  	[sflag:s0] =	ssyncadd.s32 @!p0 s1  }
0x3a3: {  	[bflag:$0x3] =	sbarrier.arrive $0xFFFF  }
0x3a4: {  	_ =	shalt  }

</sc_bundles>
